<compile_context>
chip_gen: v7x
topology: tpu7x:2x2x1
jax: 0.10.2.dev20260603
libtpu: 0.0.44.dev20260713+nightly
codegen_flags: <defaults>
</compile_context>

<pallas_src>
import functools

import jax
import jax.numpy as jnp
from jax import lax
from jax.experimental import pallas as pl
from jax.experimental.pallas import tpu as pltpu
from jax.experimental.pallas import tpu_sc as plsc

H = 1024
I = 512
E = 8
NS = 1

BLK = 512
T = 512
CH = 256
NW = 32
CHW = 32


def _router_kernel(x_ref, wr_ref, pos_ref, w01_ref, be_ref, *,
                   n_tok, n_asn, n_blocks):
    x32 = x_ref[...]

    logits = lax.dot_general(x32, wr_ref[...], (((1,), (1,)), ((), ())),
                             preferred_element_type=jnp.float32)
    m = jnp.max(logits, axis=1, keepdims=True)
    p = jnp.exp(logits - m)
    p = p / jnp.sum(p, axis=1, keepdims=True)
    eids = lax.broadcasted_iota(jnp.int32, (n_tok, E), 1)
    w0 = jnp.max(p, axis=1, keepdims=True)
    i0 = jnp.argmax(p, axis=1, keepdims=True)
    p2 = jnp.where(eids == i0, -1.0, p)
    w1 = jnp.max(p2, axis=1, keepdims=True)
    i1 = jnp.argmax(p2, axis=1, keepdims=True)
    w01_ref[...] = jnp.concatenate([w0, w1], axis=1)

    onehot0 = (eids == i0).astype(jnp.float32)
    onehot1 = (eids == i1).astype(jnp.float32)

    r_io = lax.broadcasted_iota(jnp.int32, (CH, CH), 0)
    c_io = lax.broadcasted_iota(jnp.int32, (CH, CH), 1)
    ltri = (r_io > c_io).astype(jnp.float32)

    n_chunks = n_asn // CH
    per_k = n_tok // CH
    tot = jnp.zeros((1, E), jnp.float32)

    def chunk(c):
        if c < per_k:
            return lax.slice(onehot0, (c * CH, 0), ((c + 1) * CH, E))
        return lax.slice(onehot1, ((c - per_k) * CH, 0), ((c - per_k + 1) * CH, E))

    rk = CH // 128
    rsel = []
    for c in range(n_chunks):
        oc = chunk(c)
        ranks = lax.dot_general(ltri, oc, (((1,), (0,)), ((), ())),
                                preferred_element_type=jnp.float32) + tot
        rsel.append(jnp.sum(oc * ranks, axis=1, keepdims=True))
        tot = tot + jnp.sum(oc, axis=0, keepdims=True)

    cnt = tot.astype(jnp.int32)
    nb = lax.shift_right_logical(cnt + (T - 1), T.bit_length() - 1)
    e_r = lax.broadcasted_iota(jnp.int32, (E, E), 0)
    e_c = lax.broadcasted_iota(jnp.int32, (E, E), 1)
    utri = (e_r < e_c).astype(jnp.float32)
    bstart = lax.dot_general(nb.astype(jnp.float32), utri,
                             (((1,), (0,)), ((), ())),
                             preferred_element_type=jnp.float32)
    row_start_f = bstart * float(T)

    for c in range(n_chunks):
        oc = chunk(c)
        posc = rsel[c] + jnp.sum(oc * row_start_f, axis=1, keepdims=True)
        pos_ref[pl.ds(c * rk, rk), :] = (
            posc.astype(jnp.int32).reshape(rk, 128))

    nbe = n_blocks + E
    b_io = lax.broadcasted_iota(jnp.int32, (nbe, E), 0)
    bstart_i = bstart.astype(jnp.int32)
    be = jnp.sum((bstart_i <= b_io).astype(jnp.int32),
                 axis=1, keepdims=True) - 1
    bt = jnp.sum(nb, axis=1, keepdims=True)
    row_io = lax.broadcasted_iota(jnp.int32, (nbe, 1), 0)
    be_ref[...] = jnp.where(row_io == nbe - 1, bt, be)


def _shared_kernel(x_ref, wsg_ref, wsu_ref, wsd_ref, out_ref):
    x32 = x_ref[...]
    xb = x32.astype(jnp.bfloat16)
    acc = x32
    for s in range(NS):
        g = lax.dot_general(xb, wsg_ref[s], (((1,), (1,)), ((), ())),
                            preferred_element_type=jnp.float32)
        u = lax.dot_general(xb, wsu_ref[s], (((1,), (1,)), ((), ())),
                            preferred_element_type=jnp.float32)
        h = (jax.nn.sigmoid(g) * u).astype(jnp.bfloat16)
        acc = acc + lax.dot_general(h, wsd_ref[s], (((1,), (1,)), ((), ())),
                                    preferred_element_type=jnp.float32)
    out_ref[...] = acc


def _sc_scatter(xf, pos, n_rows_out):
    n_asn = pos.shape[0]
    n_tok, d = xf.shape
    per_w = n_tok // NW
    mesh = plsc.VectorSubcoreMesh(core_axis_name="c", subcore_axis_name="s")

    @functools.partial(
        pl.kernel, mesh=mesh,
        out_type=jax.ShapeDtypeStruct((n_rows_out, d), jnp.float32),
        scratch_types=[pltpu.VMEM((2, per_w), jnp.int32),
                       pltpu.VMEM((per_w, d), jnp.float32),
                       pltpu.SemaphoreType.DMA,
                       pltpu.SemaphoreType.DMA,
                       pltpu.SemaphoreType.DMA],
    )
    def k(x_hbm, pos_hbm, out_hbm, idx_v, rows_v, s_in, s0, s1):
        wid = lax.axis_index("s") * 2 + lax.axis_index("c")
        tb = wid * per_w
        ci0 = pltpu.async_copy(pos_hbm.at[pl.ds(tb, per_w)], idx_v.at[0], s0)
        ci1 = pltpu.async_copy(pos_hbm.at[pl.ds(n_tok + tb, per_w)],
                               idx_v.at[1], s1)
        cr = pltpu.async_copy(x_hbm.at[pl.ds(tb, per_w)], rows_v, s_in)
        ci0.wait()
        ci1.wait()
        cr.wait()
        c0 = pltpu.async_copy(rows_v, out_hbm.at[idx_v.at[0]], s0)
        c1 = pltpu.async_copy(rows_v, out_hbm.at[idx_v.at[1]], s1)
        c0.wait()
        c1.wait()

    return k(xf, pos)


def _sc_gather(ys, pos):
    n_asn = pos.shape[0]
    d = ys.shape[1]
    per_w = n_asn // NW
    n_ch = per_w // CHW
    mesh = plsc.VectorSubcoreMesh(core_axis_name="c", subcore_axis_name="s")

    @functools.partial(
        pl.kernel, mesh=mesh,
        out_type=jax.ShapeDtypeStruct((n_asn, d), jnp.float32),
        scratch_types=[pltpu.VMEM((n_ch, CHW), jnp.int32),
                       pltpu.VMEM((CHW, d), jnp.float32),
                       pltpu.VMEM((CHW, d), jnp.float32),
                       pltpu.SemaphoreType.DMA,
                       pltpu.SemaphoreType.DMA],
    )
    def k(ys_hbm, pos_hbm, out_hbm, idx_v, buf_a, buf_b, sem_a, sem_b):
        wid = lax.axis_index("s") * 2 + lax.axis_index("c")
        base = wid * per_w
        for c in range(n_ch):
            pltpu.sync_copy(pos_hbm.at[pl.ds(base + c * CHW, CHW)],
                            idx_v.at[c])
        bufs = (buf_a, buf_b)
        sems = (sem_a, sem_b)
        cps = [pltpu.async_copy(ys_hbm.at[idx_v.at[0]], buf_a, sem_a)]
        for c in range(n_ch):
            cps[c].wait()
            if c + 1 < n_ch:
                cps.append(pltpu.async_copy(ys_hbm.at[idx_v.at[c + 1]],
                                            bufs[(c + 1) % 2],
                                            sems[(c + 1) % 2]))
            pltpu.sync_copy(bufs[c % 2],
                            out_hbm.at[pl.ds(base + c * CHW, CHW)])

    return k(ys, pos)


def _cast_kernel(wg_ref, wu_ref, wd_ref, og_ref, ou_ref, od_ref):
    og_ref[...] = wg_ref[...].astype(jnp.bfloat16)
    ou_ref[...] = wu_ref[...].astype(jnp.bfloat16)
    od_ref[...] = wd_ref[...].astype(jnp.bfloat16)


def _cast_weights(w_gate, w_up, w_down):
    return pl.pallas_call(
        _cast_kernel,
        grid=(E,),
        in_specs=[pl.BlockSpec((1, I, H), lambda e: (e, 0, 0)),
                  pl.BlockSpec((1, I, H), lambda e: (e, 0, 0)),
                  pl.BlockSpec((1, H, I), lambda e: (e, 0, 0))],
        out_specs=[pl.BlockSpec((1, I, H), lambda e: (e, 0, 0)),
                   pl.BlockSpec((1, I, H), lambda e: (e, 0, 0)),
                   pl.BlockSpec((1, H, I), lambda e: (e, 0, 0))],
        out_shape=[jax.ShapeDtypeStruct((E, I, H), jnp.bfloat16),
                   jax.ShapeDtypeStruct((E, I, H), jnp.bfloat16),
                   jax.ShapeDtypeStruct((E, H, I), jnp.bfloat16)],
    )(w_gate, w_up, w_down)


def _group_mm_kernel(be_ref, xs_ref, wg_ref, wu_ref, wd_ref, out_ref, *, nbe):
    b = pl.program_id(0)
    bt = be_ref[nbe - 1]

    @pl.when(b < bt)
    def _():
        xb = xs_ref[...].astype(jnp.bfloat16)
        g = lax.dot_general(xb, wg_ref[0], (((1,), (1,)), ((), ())),
                            preferred_element_type=jnp.float32)
        u = lax.dot_general(xb, wu_ref[0], (((1,), (1,)), ((), ())),
                            preferred_element_type=jnp.float32)
        h = (jax.nn.sigmoid(g) * u).astype(jnp.bfloat16)
        de = lax.dot_general(h, wd_ref[0], (((1,), (1,)), ((), ())),
                             preferred_element_type=jnp.float32)
        out_ref[...] = de.astype(jnp.bfloat16).astype(jnp.float32)


def _combine_kernel(acc_ref, y0_ref, y1_ref, w01_ref, out_ref):
    w01 = w01_ref[...].astype(jnp.bfloat16)
    c0 = (w01[:, 0:1] * y0_ref[...].astype(jnp.bfloat16)).astype(jnp.float32)
    c1 = (w01[:, 1:2] * y1_ref[...].astype(jnp.bfloat16)).astype(jnp.float32)
    out_ref[...] = acc_ref[...] + c0 + c1


@jax.jit
def kernel(x, ws_gate, ws_up, ws_down, w_router, w_gate, w_up, w_down):
    B, S, Hx = x.shape
    n_tok = B * S
    n_asn = 2 * n_tok
    n_blocks = n_asn // T + E
    flat = x.reshape(n_tok, Hx)
    wsg = ws_gate.astype(jnp.bfloat16)
    wsu = ws_up.astype(jnp.bfloat16)
    wsd = ws_down.astype(jnp.bfloat16)
    wg, wu, wd = _cast_weights(w_gate, w_up, w_down)

    pos, w01, be = pl.pallas_call(
        functools.partial(_router_kernel, n_tok=n_tok, n_asn=n_asn,
                          n_blocks=n_blocks),
        grid=(1,),
        in_specs=[pl.BlockSpec((n_tok, H), lambda i: (0, 0)),
                  pl.BlockSpec((E, H), lambda i: (0, 0))],
        out_specs=[pl.BlockSpec((n_asn // 128, 128), lambda i: (0, 0)),
                   pl.BlockSpec((n_tok, 2), lambda i: (0, 0)),
                   pl.BlockSpec((n_blocks + E, 1), lambda i: (0, 0))],
        out_shape=[jax.ShapeDtypeStruct((n_asn // 128, 128), jnp.int32),
                   jax.ShapeDtypeStruct((n_tok, 2), jnp.float32),
                   jax.ShapeDtypeStruct((n_blocks + E, 1), jnp.int32)],
    )(flat, w_router)

    nblk = n_tok // BLK
    full = lambda shape: pl.BlockSpec(shape, lambda i: (0,) * len(shape))
    acc2 = pl.pallas_call(
        _shared_kernel,
        grid=(nblk,),
        in_specs=[pl.BlockSpec((BLK, H), lambda i: (i, 0)),
                  full((NS, I, H)), full((NS, I, H)), full((NS, H, I))],
        out_specs=pl.BlockSpec((BLK, H), lambda i: (i, 0)),
        out_shape=jax.ShapeDtypeStruct((n_tok, H), jnp.float32),
    )(flat, wsg, wsu, wsd)

    pos_flat = pos.reshape(n_asn)
    xs = _sc_scatter(flat, pos_flat, n_blocks * T)

    nbe = n_blocks + E

    def _beff(b, be_r):
        return jnp.minimum(b, jnp.maximum(be_r[nbe - 1] - 1, 0))

    ys = pl.pallas_call(
        functools.partial(_group_mm_kernel, nbe=nbe),
        grid_spec=pltpu.PrefetchScalarGridSpec(
            num_scalar_prefetch=1,
            grid=(n_blocks,),
            in_specs=[
                pl.BlockSpec((T, H), lambda b, be_r: (_beff(b, be_r), 0)),
                pl.BlockSpec((1, I, H),
                             lambda b, be_r: (be_r[_beff(b, be_r)], 0, 0)),
                pl.BlockSpec((1, I, H),
                             lambda b, be_r: (be_r[_beff(b, be_r)], 0, 0)),
                pl.BlockSpec((1, H, I),
                             lambda b, be_r: (be_r[_beff(b, be_r)], 0, 0)),
            ],
            out_specs=pl.BlockSpec((T, H), lambda b, be_r: (_beff(b, be_r), 0)),
        ),
        out_shape=jax.ShapeDtypeStruct((n_blocks * T, H), jnp.float32),
    )(be.reshape(nbe), xs, wg, wu, wd)

    y01 = _sc_gather(ys, pos_flat)

    kblk = n_tok // BLK
    out = pl.pallas_call(
        _combine_kernel,
        grid=(nblk,),
        in_specs=[pl.BlockSpec((BLK, H), lambda i: (i, 0)),
                  pl.BlockSpec((BLK, H), lambda i: (i, 0)),
                  pl.BlockSpec((BLK, H), lambda i: (i + kblk, 0)),
                  pl.BlockSpec((BLK, 2), lambda i: (i, 0))],
        out_specs=pl.BlockSpec((BLK, H), lambda i: (i, 0)),
        out_shape=jax.ShapeDtypeStruct((n_tok, H), jnp.float32),
    )(acc2, y01, y01, w01)
    return out.reshape(B, S, Hx)

# --- scband reference (transcript-rebuilt; emitter-appended) ---
"""Pipeline reference for scband-thunder-kittens-mo-e-75110388072961 (READ-ONLY COPY).

The authoritative reference and input builder live on the scoring server;
editing this copy changes nothing except your own understanding.
"""

import jax, jax.numpy as jnp
import numpy as np

H = 1024
I = 512
E = 8
TOP_K = 2
NS = 1
SCALE = 1.0
B = 1
S = 2048


def setup_inputs(seed: int = 0) -> dict:
    key = jax.random.key(seed)
    ks = jax.random.split(key, 9)
    x = jax.random.normal(ks[0], (B, S, H), dtype=jnp.float32)
    ws_gate = jax.random.normal(ks[1], (NS, I, H), dtype=jnp.float32) * 0.02
    ws_up = jax.random.normal(ks[2], (NS, I, H), dtype=jnp.float32) * 0.02
    ws_down = jax.random.normal(ks[3], (NS, H, I), dtype=jnp.float32) * 0.02
    w_router = jax.random.normal(ks[4], (E, H), dtype=jnp.float32) * 0.02
    w_gate = jax.random.normal(ks[5], (E, I, H), dtype=jnp.float32) * 0.02
    w_up = jax.random.normal(ks[6], (E, I, H), dtype=jnp.float32) * 0.02
    w_down = jax.random.normal(ks[7], (E, H, I), dtype=jnp.float32) * 0.02
    return {
        "x": x,
        "ws_gate": ws_gate,
        "ws_up": ws_up,
        "ws_down": ws_down,
        "w_router": w_router,
        "w_gate": w_gate,
        "w_up": w_up,
        "w_down": w_down,
    }


def reference(x, ws_gate, ws_up, ws_down, w_router, w_gate, w_up, w_down):
    Bx, Sx, Hx = x.shape
    residual = x
    flat = x.reshape(-1, Hx)
    # shared experts (float32 MLP: down(sigmoid(gate(x)) * up(x)))
    shared = jnp.zeros_like(flat)
    for s in range(NS):
        g = flat @ ws_gate[s].T
        u = flat @ ws_up[s].T
        shared = shared + (jax.nn.sigmoid(g) * u) @ ws_down[s].T
    # router: softmax then top-k
    logits = flat @ w_router.T
    weights = jax.nn.softmax(logits, axis=-1)
    top_w, top_idx = jax.lax.top_k(weights, TOP_K)
    top_w = top_w * SCALE
    # routed experts in bf16, accumulated in fp32 (masked dense dispatch,
    # math-equivalent to the per-token gather/scatter in the torch code)
    flat16 = flat.astype(jnp.bfloat16)
    routed = jnp.zeros_like(flat)
    for e in range(E):
        ge = flat16 @ w_gate[e].astype(jnp.bfloat16).T
        ue = flat16 @ w_up[e].astype(jnp.bfloat16).T
        he = jax.nn.sigmoid(ge) * ue
        de = he @ w_down[e].astype(jnp.bfloat16).T
        for k in range(TOP_K):
            m = (top_idx[:, k] == e)[:, None]
            contrib = (top_w[:, k].astype(jnp.bfloat16)[:, None] * de).astype(jnp.float32)
            routed = routed + jnp.where(m, contrib, jnp.zeros_like(contrib))
    return residual + shared.reshape(Bx, Sx, Hx) + routed.reshape(Bx, Sx, Hx)

if __name__ == "__main__":
    import jax
    _d = setup_inputs()
    print(jax.jit(kernel)(*tuple(_d.values())))

</pallas_src>

<mosaic_0001>
#map = affine_map<(d0, d1) -> (0, 0)>
#map1 = affine_map<(d0, d1) -> (0)>
module attributes {stable_mosaic.version = 14 : i64} {
  func.func @k(%arg0: i32, %arg1: i32, %arg2: memref<2048x1024xf32, #tpu.memory_space<hbm>>, %arg3: memref<4096xi32, #tpu.memory_space<hbm>>, %arg4: memref<8192x1024xf32, #tpu.memory_space<hbm>>, %arg5: memref<2x64xi32, #tpu.memory_space<vmem>>, %arg6: memref<64x1024xf32, #tpu.memory_space<vmem>>, %arg7: memref<!tpu.dma_semaphore, #tpu.memory_space<semaphore_mem>>, %arg8: memref<!tpu.dma_semaphore, #tpu.memory_space<semaphore_mem>>, %arg9: memref<!tpu.dma_semaphore, #tpu.memory_space<semaphore_mem>>) attributes {dimension_semantics = [#tpu.dimension_semantics<core_parallel>, #tpu.dimension_semantics<subcore_parallel>], iteration_bounds = array<i64: 2, 16>, scalar_prefetch = 0 : i64, scratch_operands = 5 : i64, tpu.core_type = #tpu.core_type<sc_vector_subcore>, window_params = [{transform_indices = #map}, {transform_indices = #map1}, {transform_indices = #map}]} {
    %mul3A = arith.constant 2 : i32
    %mul3A_0 = arith.muli %arg1, %mul3A : i32
    %add3A = arith.addi %mul3A_0, %arg0 : i32
    %mul3A_1 = arith.constant 64 : i32
    %mul3A_2 = arith.muli %add3A, %mul3A_1 : i32
    %dma_start3A = arith.constant 0 : i32
    %dma_start3A_3 = arith.constant 0 : i32
    %dma_start3A_4 = tpu.memref_slice %arg5[%dma_start3A, %dma_start3A_3] : memref<2x64xi32, #tpu.memory_space<vmem>> -> memref<1x64xi32, #tpu.memory_space<vmem>>
    %dma_start3A_5 = tpu.memref_squeeze %dma_start3A_4 : memref<1x64xi32, #tpu.memory_space<vmem>> -> memref<64xi32, #tpu.memory_space<vmem>>
    %dma_start3A_6 = tpu.memref_slice %arg3[%mul3A_2] : memref<4096xi32, #tpu.memory_space<hbm>> -> memref<64xi32, #tpu.memory_space<hbm>>
    %dma_start3A_7 = arith.constant 0 : i32
    %dma_start3A_8 = tpu.memref_slice %arg5[%dma_start3A, %dma_start3A_7] : memref<2x64xi32, #tpu.memory_space<vmem>> -> memref<1x64xi32, #tpu.memory_space<vmem>>
    %dma_start3A_9 = tpu.memref_squeeze %dma_start3A_8 : memref<1x64xi32, #tpu.memory_space<vmem>> -> memref<64xi32, #tpu.memory_space<vmem>>
    %dma_start3A_10 = tpu.memref_slice %arg3[%mul3A_2] : memref<4096xi32, #tpu.memory_space<hbm>> -> memref<64xi32, #tpu.memory_space<hbm>>
    tpu.enqueue_dma source(%dma_start3A_10 : memref<64xi32, #tpu.memory_space<hbm>>) target(%dma_start3A_9 : memref<64xi32, #tpu.memory_space<vmem>>) target_semaphore(%arg8 : memref<!tpu.dma_semaphore, #tpu.memory_space<semaphore_mem>>)
    %add3A_11 = arith.constant 2048 : i32
    %add3A_12 = arith.addi %add3A_11, %mul3A_2 : i32
    %dma_start3A_13 = arith.constant 1 : i32
    %dma_start3A_14 = arith.constant 0 : i32
    %dma_start3A_15 = tpu.memref_slice %arg5[%dma_start3A_13, %dma_start3A_14] : memref<2x64xi32, #tpu.memory_space<vmem>> -> memref<1x64xi32, #tpu.memory_space<vmem>>
    %dma_start3A_16 = tpu.memref_squeeze %dma_start3A_15 : memref<1x64xi32, #tpu.memory_space<vmem>> -> memref<64xi32, #tpu.memory_space<vmem>>
    %dma_start3A_17 = tpu.memref_slice %arg3[%add3A_12] : memref<4096xi32, #tpu.memory_space<hbm>> -> memref<64xi32, #tpu.memory_space<hbm>>
    %dma_start3A_18 = arith.constant 0 : i32
    %dma_start3A_19 = tpu.memref_slice %arg5[%dma_start3A_13, %dma_start3A_18] : memref<2x64xi32, #tpu.memory_space<vmem>> -> memref<1x64xi32, #tpu.memory_space<vmem>>
    %dma_start3A_20 = tpu.memref_squeeze %dma_start3A_19 : memref<1x64xi32, #tpu.memory_space<vmem>> -> memref<64xi32, #tpu.memory_space<vmem>>
    %dma_start3A_21 = tpu.memref_slice %arg3[%add3A_12] : memref<4096xi32, #tpu.memory_space<hbm>> -> memref<64xi32, #tpu.memory_space<hbm>>
    tpu.enqueue_dma source(%dma_start3A_21 : memref<64xi32, #tpu.memory_space<hbm>>) target(%dma_start3A_20 : memref<64xi32, #tpu.memory_space<vmem>>) target_semaphore(%arg9 : memref<!tpu.dma_semaphore, #tpu.memory_space<semaphore_mem>>)
    %dma_start3A_22 = arith.constant 0 : i32
    %dma_start3A_23 = tpu.memref_slice %arg2[%mul3A_2, %dma_start3A_22] : memref<2048x1024xf32, #tpu.memory_space<hbm>> -> memref<64x1024xf32, #tpu.memory_space<hbm>>
    %dma_start3A_24 = arith.constant 0 : i32
    %dma_start3A_25 = tpu.memref_slice %arg2[%mul3A_2, %dma_start3A_24] : memref<2048x1024xf32, #tpu.memory_space<hbm>> -> memref<64x1024xf32, #tpu.memory_space<hbm>>
    tpu.enqueue_dma source(%dma_start3A_25 : memref<64x1024xf32, #tpu.memory_space<hbm>>) target(%arg6 : memref<64x1024xf32, #tpu.memory_space<vmem>>) target_semaphore(%arg7 : memref<!tpu.dma_semaphore, #tpu.memory_space<semaphore_mem>>)
    %dma_wait3A = arith.constant 0 : i32
    %dma_wait3A_26 = arith.constant 0 : i32
    %dma_wait3A_27 = tpu.memref_slice %arg5[%dma_wait3A, %dma_wait3A_26] : memref<2x64xi32, #tpu.memory_space<vmem>> -> memref<1x64xi32, #tpu.memory_space<vmem>>
    %dma_wait3A_28 = tpu.memref_squeeze %dma_wait3A_27 : memref<1x64xi32, #tpu.memory_space<vmem>> -> memref<64xi32, #tpu.memory_space<vmem>>
    %dma_wait3A_29 = tpu.memref_slice %arg3[%mul3A_2] : memref<4096xi32, #tpu.memory_space<hbm>> -> memref<64xi32, #tpu.memory_space<hbm>>
    %dma_wait3A_30 = arith.constant 0 : i32
    %dma_wait3A_31 = tpu.memref_slice %arg5[%dma_wait3A, %dma_wait3A_30] : memref<2x64xi32, #tpu.memory_space<vmem>> -> memref<1x64xi32, #tpu.memory_space<vmem>>
    %dma_wait3A_32 = tpu.memref_squeeze %dma_wait3A_31 : memref<1x64xi32, #tpu.memory_space<vmem>> -> memref<64xi32, #tpu.memory_space<vmem>>
    %dma_wait3A_33 = tpu.memref_slice %arg3[%mul3A_2] : memref<4096xi32, #tpu.memory_space<hbm>> -> memref<64xi32, #tpu.memory_space<hbm>>
    tpu.wait_dma2 semaphore(%arg8 : memref<!tpu.dma_semaphore, #tpu.memory_space<semaphore_mem>>) src(%dma_wait3A_33 : memref<64xi32, #tpu.memory_space<hbm>>) dst(%dma_wait3A_32 : memref<64xi32, #tpu.memory_space<vmem>>)
    %dma_wait3A_34 = arith.constant 1 : i32
    %dma_wait3A_35 = arith.constant 0 : i32
    %dma_wait3A_36 = tpu.memref_slice %arg5[%dma_wait3A_34, %dma_wait3A_35] : memref<2x64xi32, #tpu.memory_space<vmem>> -> memref<1x64xi32, #tpu.memory_space<vmem>>
    %dma_wait3A_37 = tpu.memref_squeeze %dma_wait3A_36 : memref<1x64xi32, #tpu.memory_space<vmem>> -> memref<64xi32, #tpu.memory_space<vmem>>
    %dma_wait3A_38 = tpu.memref_slice %arg3[%add3A_12] : memref<4096xi32, #tpu.memory_space<hbm>> -> memref<64xi32, #tpu.memory_space<hbm>>
    %dma_wait3A_39 = arith.constant 0 : i32
    %dma_wait3A_40 = tpu.memref_slice %arg5[%dma_wait3A_34, %dma_wait3A_39] : memref<2x64xi32, #tpu.memory_space<vmem>> -> memref<1x64xi32, #tpu.memory_space<vmem>>
    %dma_wait3A_41 = tpu.memref_squeeze %dma_wait3A_40 : memref<1x64xi32, #tpu.memory_space<vmem>> -> memref<64xi32, #tpu.memory_space<vmem>>
    %dma_wait3A_42 = tpu.memref_slice %arg3[%add3A_12] : memref<4096xi32, #tpu.memory_space<hbm>> -> memref<64xi32, #tpu.memory_space<hbm>>
    tpu.wait_dma2 semaphore(%arg9 : memref<!tpu.dma_semaphore, #tpu.memory_space<semaphore_mem>>) src(%dma_wait3A_42 : memref<64xi32, #tpu.memory_space<hbm>>) dst(%dma_wait3A_41 : memref<64xi32, #tpu.memory_space<vmem>>)
    %dma_wait3A_43 = arith.constant 0 : i32
    %dma_wait3A_44 = tpu.memref_slice %arg2[%mul3A_2, %dma_wait3A_43] : memref<2048x1024xf32, #tpu.memory_space<hbm>> -> memref<64x1024xf32, #tpu.memory_space<hbm>>
    %dma_wait3A_45 = arith.constant 0 : i32
    %dma_wait3A_46 = tpu.memref_slice %arg2[%mul3A_2, %dma_wait3A_45] : memref<2048x1024xf32, #tpu.memory_space<hbm>> -> memref<64x1024xf32, #tpu.memory_space<hbm>>
    tpu.wait_dma2 semaphore(%arg7 : memref<!tpu.dma_semaphore, #tpu.memory_space<semaphore_mem>>) src(%dma_wait3A_46 : memref<64x1024xf32, #tpu.memory_space<hbm>>) dst(%arg6 : memref<64x1024xf32, #tpu.memory_space<vmem>>)
    %dma_start3A_47 = arith.constant 0 : i32
    %dma_start3A_48 = arith.constant 0 : i32
    %dma_start3A_49 = tpu.memref_slice %arg5[%dma_start3A_47, %dma_start3A_48] : memref<2x64xi32, #tpu.memory_space<vmem>> -> memref<1x64xi32, #tpu.memory_space<vmem>>
    %dma_start3A_50 = tpu.memref_squeeze %dma_start3A_49 : memref<1x64xi32, #tpu.memory_space<vmem>> -> memref<64xi32, #tpu.memory_space<vmem>>
    %dma_start3A_51 = arith.constant 0 : i32
    %dma_start3A_52 = arith.constant 0 : i32
    %dma_start3A_53 = tpu.memref_slice %arg4[%dma_start3A_51, %dma_start3A_52] : memref<8192x1024xf32, #tpu.memory_space<hbm>> -> memref<8192x1024xf32, #tpu.memory_space<hbm>>
    tpu.enqueue_indirect_dma source(%arg6 : memref<64x1024xf32, #tpu.memory_space<vmem>>) target(%dma_start3A_53 : memref<8192x1024xf32, #tpu.memory_space<hbm>>) offsets(%dma_start3A_50 : memref<64xi32, #tpu.memory_space<vmem>>) semaphore(%arg8 : memref<!tpu.dma_semaphore, #tpu.memory_space<semaphore_mem>>)
    %dma_start3A_54 = arith.constant 1 : i32
    %dma_start3A_55 = arith.constant 0 : i32
    %dma_start3A_56 = tpu.memref_slice %arg5[%dma_start3A_54, %dma_start3A_55] : memref<2x64xi32, #tpu.memory_space<vmem>> -> memref<1x64xi32, #tpu.memory_space<vmem>>
    %dma_start3A_57 = tpu.memref_squeeze %dma_start3A_56 : memref<1x64xi32, #tpu.memory_space<vmem>> -> memref<64xi32, #tpu.memory_space<vmem>>
    %dma_start3A_58 = arith.constant 0 : i32
    %dma_start3A_59 = arith.constant 0 : i32
    %dma_start3A_60 = tpu.memref_slice %arg4[%dma_start3A_58, %dma_start3A_59] : memref<8192x1024xf32, #tpu.memory_space<hbm>> -> memref<8192x1024xf32, #tpu.memory_space<hbm>>
    tpu.enqueue_indirect_dma source(%arg6 : memref<64x1024xf32, #tpu.memory_space<vmem>>) target(%dma_start3A_60 : memref<8192x1024xf32, #tpu.memory_space<hbm>>) offsets(%dma_start3A_57 : memref<64xi32, #tpu.memory_space<vmem>>) semaphore(%arg9 : memref<!tpu.dma_semaphore, #tpu.memory_space<semaphore_mem>>)
    %dma_wait3A_61 = arith.constant 0 : i32
    %dma_wait3A_62 = arith.constant 0 : i32
    %dma_wait3A_63 = tpu.memref_slice %arg5[%dma_wait3A_61, %dma_wait3A_62] : memref<2x64xi32, #tpu.memory_space<vmem>> -> memref<1x64xi32, #tpu.memory_space<vmem>>
    %dma_wait3A_64 = tpu.memref_squeeze %dma_wait3A_63 : memref<1x64xi32, #tpu.memory_space<vmem>> -> memref<64xi32, #tpu.memory_space<vmem>>
    %dma_wait3A_65 = arith.constant 0 : i32
    %dma_wait3A_66 = arith.constant 0 : i32
    %dma_wait3A_67 = tpu.memref_slice %arg4[%dma_wait3A_65, %dma_wait3A_66] : memref<8192x1024xf32, #tpu.memory_space<hbm>> -> memref<8192x1024xf32, #tpu.memory_space<hbm>>
    tpu.wait_indirect_dma semaphore(%arg8 : memref<!tpu.dma_semaphore, #tpu.memory_space<semaphore_mem>>) src(%arg6 : memref<64x1024xf32, #tpu.memory_space<vmem>>) dst(%dma_wait3A_67 : memref<8192x1024xf32, #tpu.memory_space<hbm>>)
    %dma_wait3A_68 = arith.constant 1 : i32
    %dma_wait3A_69 = arith.constant 0 : i32
    %dma_wait3A_70 = tpu.memref_slice %arg5[%dma_wait3A_68, %dma_wait3A_69] : memref<2x64xi32, #tpu.memory_space<vmem>> -> memref<1x64xi32, #tpu.memory_space<vmem>>
    %dma_wait3A_71 = tpu.memref_squeeze %dma_wait3A_70 : memref<1x64xi32, #tpu.memory_space<vmem>> -> memref<64xi32, #tpu.memory_space<vmem>>
    %dma_wait3A_72 = arith.constant 0 : i32
    %dma_wait3A_73 = arith.constant 0 : i32
    %dma_wait3A_74 = tpu.memref_slice %arg4[%dma_wait3A_72, %dma_wait3A_73] : memref<8192x1024xf32, #tpu.memory_space<hbm>> -> memref<8192x1024xf32, #tpu.memory_space<hbm>>
    tpu.wait_indirect_dma semaphore(%arg9 : memref<!tpu.dma_semaphore, #tpu.memory_space<semaphore_mem>>) src(%arg6 : memref<64x1024xf32, #tpu.memory_space<vmem>>) dst(%dma_wait3A_74 : memref<8192x1024xf32, #tpu.memory_space<hbm>>)
    return
  }
}

#map = affine_map<(d0, d1) -> (0, 0)>
#map1 = affine_map<(d0, d1) -> (0)>
module attributes {stable_mosaic.version = 14 : i64} {
  func.func @k(%arg0: i32, %arg1: i32, %arg2: memref<8192x1024xf32, #tpu.memory_space<hbm>>, %arg3: memref<4096xi32, #tpu.memory_space<hbm>>, %arg4: memref<4096x1024xf32, #tpu.memory_space<hbm>>, %arg5: memref<4x32xi32, #tpu.memory_space<vmem>>, %arg6: memref<32x1024xf32, #tpu.memory_space<vmem>>, %arg7: memref<32x1024xf32, #tpu.memory_space<vmem>>, %arg8: memref<!tpu.dma_semaphore, #tpu.memory_space<semaphore_mem>>, %arg9: memref<!tpu.dma_semaphore, #tpu.memory_space<semaphore_mem>>) attributes {dimension_semantics = [#tpu.dimension_semantics<core_parallel>, #tpu.dimension_semantics<subcore_parallel>], iteration_bounds = array<i64: 2, 16>, scalar_prefetch = 0 : i64, scratch_operands = 5 : i64, tpu.core_type = #tpu.core_type<sc_vector_subcore>, window_params = [{transform_indices = #map}, {transform_indices = #map1}, {transform_indices = #map}]} {
    %mul3A = arith.constant 2 : i32
    %mul3A_0 = arith.muli %arg1, %mul3A : i32
    %add3A = arith.addi %mul3A_0, %arg0 : i32
    %mul3A_1 = arith.constant 128 : i32
    %mul3A_2 = arith.muli %add3A, %mul3A_1 : i32
    %add3A_3 = arith.constant 0 : i32
    %add3A_4 = arith.addi %mul3A_2, %add3A_3 : i32
    %run_scoped3A = arith.constant 0 : i32
    "tpu.region"() ({
      %run_scoped3A_76 = tpu.sem_alloc : memref<!tpu.dma_semaphore, #tpu.memory_space<semaphore_mem>>
      %dma_start3A_77 = arith.constant 0 : i32
      %dma_start3A_78 = tpu.memref_slice %arg5[%run_scoped3A, %dma_start3A_77] : memref<4x32xi32, #tpu.memory_space<vmem>> -> memref<1x32xi32, #tpu.memory_space<vmem>>
      %dma_start3A_79 = tpu.memref_squeeze %dma_start3A_78 : memref<1x32xi32, #tpu.memory_space<vmem>> -> memref<32xi32, #tpu.memory_space<vmem>>
      %dma_start3A_80 = tpu.memref_slice %arg3[%add3A_4] : memref<4096xi32, #tpu.memory_space<hbm>> -> memref<32xi32, #tpu.memory_space<hbm>>
      %dma_start3A_81 = arith.constant 0 : i32
      %dma_start3A_82 = tpu.memref_slice %arg5[%run_scoped3A, %dma_start3A_81] : memref<4x32xi32, #tpu.memory_space<vmem>> -> memref<1x32xi32, #tpu.memory_space<vmem>>
      %dma_start3A_83 = tpu.memref_squeeze %dma_start3A_82 : memref<1x32xi32, #tpu.memory_space<vmem>> -> memref<32xi32, #tpu.memory_space<vmem>>
      %dma_start3A_84 = tpu.memref_slice %arg3[%add3A_4] : memref<4096xi32, #tpu.memory_space<hbm>> -> memref<32xi32, #tpu.memory_space<hbm>>
      tpu.enqueue_dma source(%dma_start3A_84 : memref<32xi32, #tpu.memory_space<hbm>>) target(%dma_start3A_83 : memref<32xi32, #tpu.memory_space<vmem>>) target_semaphore(%run_scoped3A_76 : memref<!tpu.dma_semaphore, #tpu.memory_space<semaphore_mem>>)
      %dma_wait3A_85 = arith.constant 0 : i32
      %dma_wait3A_86 = tpu.memref_slice %arg5[%run_scoped3A, %dma_wait3A_85] : memref<4x32xi32, #tpu.memory_space<vmem>> -> memref<1x32xi32, #tpu.memory_space<vmem>>
      %dma_wait3A_87 = tpu.memref_squeeze %dma_wait3A_86 : memref<1x32xi32, #tpu.memory_space<vmem>> -> memref<32xi32, #tpu.memory_space<vmem>>
      %dma_wait3A_88 = tpu.memref_slice %arg3[%add3A_4] : memref<4096xi32, #tpu.memory_space<hbm>> -> memref<32xi32, #tpu.memory_space<hbm>>
      %dma_wait3A_89 = arith.constant 0 : i32
      %dma_wait3A_90 = tpu.memref_slice %arg5[%run_scoped3A, %dma_wait3A_89] : memref<4x32xi32, #tpu.memory_space<vmem>> -> memref<1x32xi32, #tpu.memory_space<vmem>>
      %dma_wait3A_91 = tpu.memref_squeeze %dma_wait3A_90 : memref<1x32xi32, #tpu.memory_space<vmem>> -> memref<32xi32, #tpu.memory_space<vmem>>
      %dma_wait3A_92 = tpu.memref_slice %arg3[%add3A_4] : memref<4096xi32, #tpu.memory_space<hbm>> -> memref<32xi32, #tpu.memory_space<hbm>>
      tpu.wait_dma2 semaphore(%run_scoped3A_76 : memref<!tpu.dma_semaphore, #tpu.memory_space<semaphore_mem>>) src(%dma_wait3A_92 : memref<32xi32, #tpu.memory_space<hbm>>) dst(%dma_wait3A_91 : memref<32xi32, #tpu.memory_space<vmem>>)
      tpu.yield
    }) : () -> ()
    %add3A_5 = arith.constant 32 : i32
    %add3A_6 = arith.addi %mul3A_2, %add3A_5 : i32
    %run_scoped3A_7 = arith.constant 1 : i32
    "tpu.region"() ({
      %run_scoped3A_76 = tpu.sem_alloc : memref<!tpu.dma_semaphore, #tpu.memory_space<semaphore_mem>>
      %dma_start3A_77 = arith.constant 0 : i32
      %dma_start3A_78 = tpu.memref_slice %arg5[%run_scoped3A_7, %dma_start3A_77] : memref<4x32xi32, #tpu.memory_space<vmem>> -> memref<1x32xi32, #tpu.memory_space<vmem>>
      %dma_start3A_79 = tpu.memref_squeeze %dma_start3A_78 : memref<1x32xi32, #tpu.memory_space<vmem>> -> memref<32xi32, #tpu.memory_space<vmem>>
      %dma_start3A_80 = tpu.memref_slice %arg3[%add3A_6] : memref<4096xi32, #tpu.memory_space<hbm>> -> memref<32xi32, #tpu.memory_space<hbm>>
      %dma_start3A_81 = arith.constant 0 : i32
      %dma_start3A_82 = tpu.memref_slice %arg5[%run_scoped3A_7, %dma_start3A_81] : memref<4x32xi32, #tpu.memory_space<vmem>> -> memref<1x32xi32, #tpu.memory_space<vmem>>
      %dma_start3A_83 = tpu.memref_squeeze %dma_start3A_82 : memref<1x32xi32, #tpu.memory_space<vmem>> -> memref<32xi32, #tpu.memory_space<vmem>>
      %dma_start3A_84 = tpu.memref_slice %arg3[%add3A_6] : memref<4096xi32, #tpu.memory_space<hbm>> -> memref<32xi32, #tpu.memory_space<hbm>>
      tpu.enqueue_dma source(%dma_start3A_84 : memref<32xi32, #tpu.memory_space<hbm>>) target(%dma_start3A_83 : memref<32xi32, #tpu.memory_space<vmem>>) target_semaphore(%run_scoped3A_76 : memref<!tpu.dma_semaphore, #tpu.memory_space<semaphore_mem>>)
      %dma_wait3A_85 = arith.constant 0 : i32
      %dma_wait3A_86 = tpu.memref_slice %arg5[%run_scoped3A_7, %dma_wait3A_85] : memref<4x32xi32, #tpu.memory_space<vmem>> -> memref<1x32xi32, #tpu.memory_space<vmem>>
      %dma_wait3A_87 = tpu.memref_squeeze %dma_wait3A_86 : memref<1x32xi32, #tpu.memory_space<vmem>> -> memref<32xi32, #tpu.memory_space<vmem>>
      %dma_wait3A_88 = tpu.memref_slice %arg3[%add3A_6] : memref<4096xi32, #tpu.memory_space<hbm>> -> memref<32xi32, #tpu.memory_space<hbm>>
      %dma_wait3A_89 = arith.constant 0 : i32
      %dma_wait3A_90 = tpu.memref_slice %arg5[%run_scoped3A_7, %dma_wait3A_89] : memref<4x32xi32, #tpu.memory_space<vmem>> -> memref<1x32xi32, #tpu.memory_space<vmem>>
      %dma_wait3A_91 = tpu.memref_squeeze %dma_wait3A_90 : memref<1x32xi32, #tpu.memory_space<vmem>> -> memref<32xi32, #tpu.memory_space<vmem>>
      %dma_wait3A_92 = tpu.memref_slice %arg3[%add3A_6] : memref<4096xi32, #tpu.memory_space<hbm>> -> memref<32xi32, #tpu.memory_space<hbm>>
      tpu.wait_dma2 semaphore(%run_scoped3A_76 : memref<!tpu.dma_semaphore, #tpu.memory_space<semaphore_mem>>) src(%dma_wait3A_92 : memref<32xi32, #tpu.memory_space<hbm>>) dst(%dma_wait3A_91 : memref<32xi32, #tpu.memory_space<vmem>>)
      tpu.yield
    }) : () -> ()
    %add3A_8 = arith.constant 64 : i32
    %add3A_9 = arith.addi %mul3A_2, %add3A_8 : i32
    %run_scoped3A_10 = arith.constant 2 : i32
    "tpu.region"() ({
      %run_scoped3A_76 = tpu.sem_alloc : memref<!tpu.dma_semaphore, #tpu.memory_space<semaphore_mem>>
      %dma_start3A_77 = arith.constant 0 : i32
      %dma_start3A_78 = tpu.memref_slice %arg5[%run_scoped3A_10, %dma_start3A_77] : memref<4x32xi32, #tpu.memory_space<vmem>> -> memref<1x32xi32, #tpu.memory_space<vmem>>
      %dma_start3A_79 = tpu.memref_squeeze %dma_start3A_78 : memref<1x32xi32, #tpu.memory_space<vmem>> -> memref<32xi32, #tpu.memory_space<vmem>>
      %dma_start3A_80 = tpu.memref_slice %arg3[%add3A_9] : memref<4096xi32, #tpu.memory_space<hbm>> -> memref<32xi32, #tpu.memory_space<hbm>>
      %dma_start3A_81 = arith.constant 0 : i32
      %dma_start3A_82 = tpu.memref_slice %arg5[%run_scoped3A_10, %dma_start3A_81] : memref<4x32xi32, #tpu.memory_space<vmem>> -> memref<1x32xi32, #tpu.memory_space<vmem>>
      %dma_start3A_83 = tpu.memref_squeeze %dma_start3A_82 : memref<1x32xi32, #tpu.memory_space<vmem>> -> memref<32xi32, #tpu.memory_space<vmem>>
      %dma_start3A_84 = tpu.memref_slice %arg3[%add3A_9] : memref<4096xi32, #tpu.memory_space<hbm>> -> memref<32xi32, #tpu.memory_space<hbm>>
      tpu.enqueue_dma source(%dma_start3A_84 : memref<32xi32, #tpu.memory_space<hbm>>) target(%dma_start3A_83 : memref<32xi32, #tpu.memory_space<vmem>>) target_semaphore(%run_scoped3A_76 : memref<!tpu.dma_semaphore, #tpu.memory_space<semaphore_mem>>)
      %dma_wait3A_85 = arith.constant 0 : i32
      %dma_wait3A_86 = tpu.memref_slice %arg5[%run_scoped3A_10, %dma_wait3A_85] : memref<4x32xi32, #tpu.memory_space<vmem>> -> memref<1x32xi32, #tpu.memory_space<vmem>>
      %dma_wait3A_87 = tpu.memref_squeeze %dma_wait3A_86 : memref<1x32xi32, #tpu.memory_space<vmem>> -> memref<32xi32, #tpu.memory_space<vmem>>
      %dma_wait3A_88 = tpu.memref_slice %arg3[%add3A_9] : memref<4096xi32, #tpu.memory_space<hbm>> -> memref<32xi32, #tpu.memory_space<hbm>>
      %dma_wait3A_89 = arith.constant 0 : i32
      %dma_wait3A_90 = tpu.memref_slice %arg5[%run_scoped3A_10, %dma_wait3A_89] : memref<4x32xi32, #tpu.memory_space<vmem>> -> memref<1x32xi32, #tpu.memory_space<vmem>>
      %dma_wait3A_91 = tpu.memref_squeeze %dma_wait3A_90 : memref<1x32xi32, #tpu.memory_space<vmem>> -> memref<32xi32, #tpu.memory_space<vmem>>
      %dma_wait3A_92 = tpu.memref_slice %arg3[%add3A_9] : memref<4096xi32, #tpu.memory_space<hbm>> -> memref<32xi32, #tpu.memory_space<hbm>>
      tpu.wait_dma2 semaphore(%run_scoped3A_76 : memref<!tpu.dma_semaphore, #tpu.memory_space<semaphore_mem>>) src(%dma_wait3A_92 : memref<32xi32, #tpu.memory_space<hbm>>) dst(%dma_wait3A_91 : memref<32xi32, #tpu.memory_space<vmem>>)
      tpu.yield
    }) : () -> ()
    %add3A_11 = arith.constant 96 : i32
    %add3A_12 = arith.addi %mul3A_2, %add3A_11 : i32
    %run_scoped3A_13 = arith.constant 3 : i32
    "tpu.region"() ({
      %run_scoped3A_76 = tpu.sem_alloc : memref<!tpu.dma_semaphore, #tpu.memory_space<semaphore_mem>>
      %dma_start3A_77 = arith.constant 0 : i32
      %dma_start3A_78 = tpu.memref_slice %arg5[%run_scoped3A_13, %dma_start3A_77] : memref<4x32xi32, #tpu.memory_space<vmem>> -> memref<1x32xi32, #tpu.memory_space<vmem>>
      %dma_start3A_79 = tpu.memref_squeeze %dma_start3A_78 : memref<1x32xi32, #tpu.memory_space<vmem>> -> memref<32xi32, #tpu.memory_space<vmem>>
      %dma_start3A_80 = tpu.memref_slice %arg3[%add3A_12] : memref<4096xi32, #tpu.memory_space<hbm>> -> memref<32xi32, #tpu.memory_space<hbm>>
      %dma_start3A_81 = arith.constant 0 : i32
      %dma_start3A_82 = tpu.memref_slice %arg5[%run_scoped3A_13, %dma_start3A_81] : memref<4x32xi32, #tpu.memory_space<vmem>> -> memref<1x32xi32, #tpu.memory_space<vmem>>
      %dma_start3A_83 = tpu.memref_squeeze %dma_start3A_82 : memref<1x32xi32, #tpu.memory_space<vmem>> -> memref<32xi32, #tpu.memory_space<vmem>>
      %dma_start3A_84 = tpu.memref_slice %arg3[%add3A_12] : memref<4096xi32, #tpu.memory_space<hbm>> -> memref<32xi32, #tpu.memory_space<hbm>>
      tpu.enqueue_dma source(%dma_start3A_84 : memref<32xi32, #tpu.memory_space<hbm>>) target(%dma_start3A_83 : memref<32xi32, #tpu.memory_space<vmem>>) target_semaphore(%run_scoped3A_76 : memref<!tpu.dma_semaphore, #tpu.memory_space<semaphore_mem>>)
      %dma_wait3A_85 = arith.constant 0 : i32
      %dma_wait3A_86 = tpu.memref_slice %arg5[%run_scoped3A_13, %dma_wait3A_85] : memref<4x32xi32, #tpu.memory_space<vmem>> -> memref<1x32xi32, #tpu.memory_space<vmem>>
      %dma_wait3A_87 = tpu.memref_squeeze %dma_wait3A_86 : memref<1x32xi32, #tpu.memory_space<vmem>> -> memref<32xi32, #tpu.memory_space<vmem>>
      %dma_wait3A_88 = tpu.memref_slice %arg3[%add3A_12] : memref<4096xi32, #tpu.memory_space<hbm>> -> memref<32xi32, #tpu.memory_space<hbm>>
      %dma_wait3A_89 = arith.constant 0 : i32
      %dma_wait3A_90 = tpu.memref_slice %arg5[%run_scoped3A_13, %dma_wait3A_89] : memref<4x32xi32, #tpu.memory_space<vmem>> -> memref<1x32xi32, #tpu.memory_space<vmem>>
      %dma_wait3A_91 = tpu.memref_squeeze %dma_wait3A_90 : memref<1x32xi32, #tpu.memory_space<vmem>> -> memref<32xi32, #tpu.memory_space<vmem>>
      %dma_wait3A_92 = tpu.memref_slice %arg3[%add3A_12] : memref<4096xi32, #tpu.memory_space<hbm>> -> memref<32xi32, #tpu.memory_space<hbm>>
      tpu.wait_dma2 semaphore(%run_scoped3A_76 : memref<!tpu.dma_semaphore, #tpu.memory_space<semaphore_mem>>) src(%dma_wait3A_92 : memref<32xi32, #tpu.memory_space<hbm>>) dst(%dma_wait3A_91 : memref<32xi32, #tpu.memory_space<vmem>>)
      tpu.yield
    }) : () -> ()
    %dma_start3A = arith.constant 0 : i32
    %dma_start3A_14 = arith.constant 0 : i32
    %dma_start3A_15 = tpu.memref_slice %arg5[%dma_start3A, %dma_start3A_14] : memref<4x32xi32, #tpu.memory_space<vmem>> -> memref<1x32xi32, #tpu.memory_space<vmem>>
    %dma_start3A_16 = tpu.memref_squeeze %dma_start3A_15 : memref<1x32xi32, #tpu.memory_space<vmem>> -> memref<32xi32, #tpu.memory_space<vmem>>
    %dma_start3A_17 = arith.constant 0 : i32
    %dma_start3A_18 = arith.constant 0 : i32
    %dma_start3A_19 = tpu.memref_slice %arg2[%dma_start3A_17, %dma_start3A_18] : memref<8192x1024xf32, #tpu.memory_space<hbm>> -> memref<8192x1024xf32, #tpu.memory_space<hbm>>
    tpu.enqueue_indirect_dma source(%dma_start3A_19 : memref<8192x1024xf32, #tpu.memory_space<hbm>>) target(%arg6 : memref<32x1024xf32, #tpu.memory_space<vmem>>) offsets(%dma_start3A_16 : memref<32xi32, #tpu.memory_space<vmem>>) semaphore(%arg8 : memref<!tpu.dma_semaphore, #tpu.memory_space<semaphore_mem>>)
    %dma_wait3A = arith.constant 0 : i32
    %dma_wait3A_20 = arith.constant 0 : i32
    %dma_wait3A_21 = tpu.memref_slice %arg5[%dma_wait3A, %dma_wait3A_20] : memref<4x32xi32, #tpu.memory_space<vmem>> -> memref<1x32xi32, #tpu.memory_space<vmem>>
    %dma_wait3A_22 = tpu.memref_squeeze %dma_wait3A_21 : memref<1x32xi32, #tpu.memory_space<vmem>> -> memref<32xi32, #tpu.memory_space<vmem>>
    %dma_wait3A_23 = arith.constant 0 : i32
    %dma_wait3A_24 = arith.constant 0 : i32
    %dma_wait3A_25 = tpu.memref_slice %arg2[%dma_wait3A_23, %dma_wait3A_24] : memref<8192x1024xf32, #tpu.memory_space<hbm>> -> memref<8192x1024xf32, #tpu.memory_space<hbm>>
    tpu.wait_indirect_dma semaphore(%arg8 : memref<!tpu.dma_semaphore, #tpu.memory_space<semaphore_mem>>) src(%dma_wait3A_25 : memref<8192x1024xf32, #tpu.memory_space<hbm>>) dst(%arg6 : memref<32x1024xf32, #tpu.memory_space<vmem>>)
    %dma_start3A_26 = arith.constant 1 : i32
    %dma_start3A_27 = arith.constant 0 : i32
    %dma_start3A_28 = tpu.memref_slice %arg5[%dma_start3A_26, %dma_start3A_27] : memref<4x32xi32, #tpu.memory_space<vmem>> -> memref<1x32xi32, #tpu.memory_space<vmem>>
    %dma_start3A_29 = tpu.memref_squeeze %dma_start3A_28 : memref<1x32xi32, #tpu.memory_space<vmem>> -> memref<32xi32, #tpu.memory_space<vmem>>
    %dma_start3A_30 = arith.constant 0 : i32
    %dma_start3A_31 = arith.constant 0 : i32
    %dma_start3A_32 = tpu.memref_slice %arg2[%dma_start3A_30, %dma_start3A_31] : memref<8192x1024xf32, #tpu.memory_space<hbm>> -> memref<8192x1024xf32, #tpu.memory_space<hbm>>
    tpu.enqueue_indirect_dma source(%dma_start3A_32 : memref<8192x1024xf32, #tpu.memory_space<hbm>>) target(%arg7 : memref<32x1024xf32, #tpu.memory_space<vmem>>) offsets(%dma_start3A_29 : memref<32xi32, #tpu.memory_space<vmem>>) semaphore(%arg9 : memref<!tpu.dma_semaphore, #tpu.memory_space<semaphore_mem>>)
    %add3A_33 = arith.constant 0 : i32
    %add3A_34 = arith.addi %mul3A_2, %add3A_33 : i32
    "tpu.region"() ({
      %run_scoped3A_76 = tpu.sem_alloc : memref<!tpu.dma_semaphore, #tpu.memory_space<semaphore_mem>>
      %dma_start3A_77 = arith.constant 0 : i32
      %dma_start3A_78 = tpu.memref_slice %arg4[%add3A_34, %dma_start3A_77] : memref<4096x1024xf32, #tpu.memory_space<hbm>> -> memref<32x1024xf32, #tpu.memory_space<hbm>>
      %dma_start3A_79 = arith.constant 0 : i32
      %dma_start3A_80 = tpu.memref_slice %arg4[%add3A_34, %dma_start3A_79] : memref<4096x1024xf32, #tpu.memory_space<hbm>> -> memref<32x1024xf32, #tpu.memory_space<hbm>>
      tpu.enqueue_dma source(%arg6 : memref<32x1024xf32, #tpu.memory_space<vmem>>) target(%dma_start3A_80 : memref<32x1024xf32, #tpu.memory_space<hbm>>) target_semaphore(%run_scoped3A_76 : memref<!tpu.dma_semaphore, #tpu.memory_space<semaphore_mem>>)
      %dma_wait3A_81 = arith.constant 0 : i32
      %dma_wait3A_82 = tpu.memref_slice %arg4[%add3A_34, %dma_wait3A_81] : memref<4096x1024xf32, #tpu.memory_space<hbm>> -> memref<32x1024xf32, #tpu.memory_space<hbm>>
      %dma_wait3A_83 = arith.constant 0 : i32
      %dma_wait3A_84 = tpu.memref_slice %arg4[%add3A_34, %dma_wait3A_83] : memref<4096x1024xf32, #tpu.memory_space<hbm>> -> memref<32x1024xf32, #tpu.memory_space<hbm>>
      tpu.wait_dma2 semaphore(%run_scoped3A_76 : memref<!tpu.dma_semaphore, #tpu.memory_space<semaphore_mem>>) src(%arg6 : memref<32x1024xf32, #tpu.memory_space<vmem>>) dst(%dma_wait3A_84 : memref<32x1024xf32, #tpu.memory_space<hbm>>)
      tpu.yield
    }) : () -> ()
    %dma_wait3A_35 = arith.constant 1 : i32
    %dma_wait3A_36 = arith.constant 0 : i32
    %dma_wait3A_37 = tpu.memref_slice %arg5[%dma_wait3A_35, %dma_wait3A_36] : memref<4x32xi32, #tpu.memory_space<vmem>> -> memref<1x32xi32, #tpu.memory_space<vmem>>
    %dma_wait3A_38 = tpu.memref_squeeze %dma_wait3A_37 : memref<1x32xi32, #tpu.memory_space<vmem>> -> memref<32xi32, #tpu.memory_space<vmem>>
    %dma_wait3A_39 = arith.constant 0 : i32
    %dma_wait3A_40 = arith.constant 0 : i32
    %dma_wait3A_41 = tpu.memref_slice %arg2[%dma_wait3A_39, %dma_wait3A_40] : memref<8192x1024xf32, #tpu.memory_space<hbm>> -> memref<8192x1024xf32, #tpu.memory_space<hbm>>
    tpu.wait_indirect_dma semaphore(%arg9 : memref<!tpu.dma_semaphore, #tpu.memory_space<semaphore_mem>>) src(%dma_wait3A_41 : memref<8192x1024xf32, #tpu.memory_space<hbm>>) dst(%arg7 : memref<32x1024xf32, #tpu.memory_space<vmem>>)
    %dma_start3A_42 = arith.constant 2 : i32
    %dma_start3A_43 = arith.constant 0 : i32
    %dma_start3A_44 = tpu.memref_slice %arg5[%dma_start3A_42, %dma_start3A_43] : memref<4x32xi32, #tpu.memory_space<vmem>> -> memref<1x32xi32, #tpu.memory_space<vmem>>
    %dma_start3A_45 = tpu.memref_squeeze %dma_start3A_44 : memref<1x32xi32, #tpu.memory_space<vmem>> -> memref<32xi32, #tpu.memory_space<vmem>>
    %dma_start3A_46 = arith.constant 0 : i32
    %dma_start3A_47 = arith.constant 0 : i32
    %dma_start3A_48 = tpu.memref_slice %arg2[%dma_start3A_46, %dma_start3A_47] : memref<8192x1024xf32, #tpu.memory_space<hbm>> -> memref<8192x1024xf32, #tpu.memory_space<hbm>>
    tpu.enqueue_indirect_dma source(%dma_start3A_48 : memref<8192x1024xf32, #tpu.memory_space<hbm>>) target(%arg6 : memref<32x1024xf32, #tpu.memory_space<vmem>>) offsets(%dma_start3A_45 : memref<32xi32, #tpu.memory_space<vmem>>) semaphore(%arg8 : memref<!tpu.dma_semaphore, #tpu.memory_space<semaphore_mem>>)
    %add3A_49 = arith.constant 32 : i32
    %add3A_50 = arith.addi %mul3A_2, %add3A_49 : i32
    "tpu.region"() ({
      %run_scoped3A_76 = tpu.sem_alloc : memref<!tpu.dma_semaphore, #tpu.memory_space<semaphore_mem>>
      %dma_start3A_77 = arith.constant 0 : i32
      %dma_start3A_78 = tpu.memref_slice %arg4[%add3A_50, %dma_start3A_77] : memref<4096x1024xf32, #tpu.memory_space<hbm>> -> memref<32x1024xf32, #tpu.memory_space<hbm>>
      %dma_start3A_79 = arith.constant 0 : i32
      %dma_start3A_80 = tpu.memref_slice %arg4[%add3A_50, %dma_start3A_79] : memref<4096x1024xf32, #tpu.memory_space<hbm>> -> memref<32x1024xf32, #tpu.memory_space<hbm>>
      tpu.enqueue_dma source(%arg7 : memref<32x1024xf32, #tpu.memory_space<vmem>>) target(%dma_start3A_80 : memref<32x1024xf32, #tpu.memory_space<hbm>>) target_semaphore(%run_scoped3A_76 : memref<!tpu.dma_semaphore, #tpu.memory_space<semaphore_mem>>)
      %dma_wait3A_81 = arith.constant 0 : i32
      %dma_wait3A_82 = tpu.memref_slice %arg4[%add3A_50, %dma_wait3A_81] : memref<4096x1024xf32, #tpu.memory_space<hbm>> -> memref<32x1024xf32, #tpu.memory_space<hbm>>
      %dma_wait3A_83 = arith.constant 0 : i32
      %dma_wait3A_84 = tpu.memref_slice %arg4[%add3A_50, %dma_wait3A_83] : memref<4096x1024xf32, #tpu.memory_space<hbm>> -> memref<32x1024xf32, #tpu.memory_space<hbm>>
      tpu.wait_dma2 semaphore(%run_scoped3A_76 : memref<!tpu.dma_semaphore, #tpu.memory_space<semaphore_mem>>) src(%arg7 : memref<32x1024xf32, #tpu.memory_space<vmem>>) dst(%dma_wait3A_84 : memref<32x1024xf32, #tpu.memory_space<hbm>>)
      tpu.yield
    }) : () -> ()
    %dma_wait3A_51 = arith.constant 2 : i32
    %dma_wait3A_52 = arith.constant 0 : i32
    %dma_wait3A_53 = tpu.memref_slice %arg5[%dma_wait3A_51, %dma_wait3A_52] : memref<4x32xi32, #tpu.memory_space<vmem>> -> memref<1x32xi32, #tpu.memory_space<vmem>>
    %dma_wait3A_54 = tpu.memref_squeeze %dma_wait3A_53 : memref<1x32xi32, #tpu.memory_space<vmem>> -> memref<32xi32, #tpu.memory_space<vmem>>
    %dma_wait3A_55 = arith.constant 0 : i32
    %dma_wait3A_56 = arith.constant 0 : i32
    %dma_wait3A_57 = tpu.memref_slice %arg2[%dma_wait3A_55, %dma_wait3A_56] : memref<8192x1024xf32, #tpu.memory_space<hbm>> -> memref<8192x1024xf32, #tpu.memory_space<hbm>>
    tpu.wait_indirect_dma semaphore(%arg8 : memref<!tpu.dma_semaphore, #tpu.memory_space<semaphore_mem>>) src(%dma_wait3A_57 : memref<8192x1024xf32, #tpu.memory_space<hbm>>) dst(%arg6 : memref<32x1024xf32, #tpu.memory_space<vmem>>)
    %dma_start3A_58 = arith.constant 3 : i32
    %dma_start3A_59 = arith.constant 0 : i32
    %dma_start3A_60 = tpu.memref_slice %arg5[%dma_start3A_58, %dma_start3A_59] : memref<4x32xi32, #tpu.memory_space<vmem>> -> memref<1x32xi32, #tpu.memory_space<vmem>>
    %dma_start3A_61 = tpu.memref_squeeze %dma_start3A_60 : memref<1x32xi32, #tpu.memory_space<vmem>> -> memref<32xi32, #tpu.memory_space<vmem>>
    %dma_start3A_62 = arith.constant 0 : i32
    %dma_start3A_63 = arith.constant 0 : i32
    %dma_start3A_64 = tpu.memref_slice %arg2[%dma_start3A_62, %dma_start3A_63] : memref<8192x1024xf32, #tpu.memory_space<hbm>> -> memref<8192x1024xf32, #tpu.memory_space<hbm>>
    tpu.enqueue_indirect_dma source(%dma_start3A_64 : memref<8192x1024xf32, #tpu.memory_space<hbm>>) target(%arg7 : memref<32x1024xf32, #tpu.memory_space<vmem>>) offsets(%dma_start3A_61 : memref<32xi32, #tpu.memory_space<vmem>>) semaphore(%arg9 : memref<!tpu.dma_semaphore, #tpu.memory_space<semaphore_mem>>)
    %add3A_65 = arith.constant 64 : i32
    %add3A_66 = arith.addi %mul3A_2, %add3A_65 : i32
    "tpu.region"() ({
      %run_scoped3A_76 = tpu.sem_alloc : memref<!tpu.dma_semaphore, #tpu.memory_space<semaphore_mem>>
      %dma_start3A_77 = arith.constant 0 : i32
      %dma_start3A_78 = tpu.memref_slice %arg4[%add3A_66, %dma_start3A_77] : memref<4096x1024xf32, #tpu.memory_space<hbm>> -> memref<32x1024xf32, #tpu.memory_space<hbm>>
      %dma_start3A_79 = arith.constant 0 : i32
      %dma_start3A_80 = tpu.memref_slice %arg4[%add3A_66, %dma_start3A_79] : memref<4096x1024xf32, #tpu.memory_space<hbm>> -> memref<32x1024xf32, #tpu.memory_space<hbm>>
      tpu.enqueue_dma source(%arg6 : memref<32x1024xf32, #tpu.memory_space<vmem>>) target(%dma_start3A_80 : memref<32x1024xf32, #tpu.memory_space<hbm>>) target_semaphore(%run_scoped3A_76 : memref<!tpu.dma_semaphore, #tpu.memory_space<semaphore_mem>>)
      %dma_wait3A_81 = arith.constant 0 : i32
      %dma_wait3A_82 = tpu.memref_slice %arg4[%add3A_66, %dma_wait3A_81] : memref<4096x1024xf32, #tpu.memory_space<hbm>> -> memref<32x1024xf32, #tpu.memory_space<hbm>>
      %dma_wait3A_83 = arith.constant 0 : i32
      %dma_wait3A_84 = tpu.memref_slice %arg4[%add3A_66, %dma_wait3A_83] : memref<4096x1024xf32, #tpu.memory_space<hbm>> -> memref<32x1024xf32, #tpu.memory_space<hbm>>
      tpu.wait_dma2 semaphore(%run_scoped3A_76 : memref<!tpu.dma_semaphore, #tpu.memory_space<semaphore_mem>>) src(%arg6 : memref<32x1024xf32, #tpu.memory_space<vmem>>) dst(%dma_wait3A_84 : memref<32x1024xf32, #tpu.memory_space<hbm>>)
      tpu.yield
    }) : () -> ()
    %dma_wait3A_67 = arith.constant 3 : i32
    %dma_wait3A_68 = arith.constant 0 : i32
    %dma_wait3A_69 = tpu.memref_slice %arg5[%dma_wait3A_67, %dma_wait3A_68] : memref<4x32xi32, #tpu.memory_space<vmem>> -> memref<1x32xi32, #tpu.memory_space<vmem>>
    %dma_wait3A_70 = tpu.memref_squeeze %dma_wait3A_69 : memref<1x32xi32, #tpu.memory_space<vmem>> -> memref<32xi32, #tpu.memory_space<vmem>>
    %dma_wait3A_71 = arith.constant 0 : i32
    %dma_wait3A_72 = arith.constant 0 : i32
    %dma_wait3A_73 = tpu.memref_slice %arg2[%dma_wait3A_71, %dma_wait3A_72] : memref<8192x1024xf32, #tpu.memory_space<hbm>> -> memref<8192x1024xf32, #tpu.memory_space<hbm>>
    tpu.wait_indirect_dma semaphore(%arg9 : memref<!tpu.dma_semaphore, #tpu.memory_space<semaphore_mem>>) src(%dma_wait3A_73 : memref<8192x1024xf32, #tpu.memory_space<hbm>>) dst(%arg7 : memref<32x1024xf32, #tpu.memory_space<vmem>>)
    %add3A_74 = arith.constant 96 : i32
    %add3A_75 = arith.addi %mul3A_2, %add3A_74 : i32
    "tpu.region"() ({
      %run_scoped3A_76 = tpu.sem_alloc : memref<!tpu.dma_semaphore, #tpu.memory_space<semaphore_mem>>
      %dma_start3A_77 = arith.constant 0 : i32
      %dma_start3A_78 = tpu.memref_slice %arg4[%add3A_75, %dma_start3A_77] : memref<4096x1024xf32, #tpu.memory_space<hbm>> -> memref<32x1024xf32, #tpu.memory_space<hbm>>
      %dma_start3A_79 = arith.constant 0 : i32
      %dma_start3A_80 = tpu.memref_slice %arg4[%add3A_75, %dma_start3A_79] : memref<4096x1024xf32, #tpu.memory_space<hbm>> -> memref<32x1024xf32, #tpu.memory_space<hbm>>
      tpu.enqueue_dma source(%arg7 : memref<32x1024xf32, #tpu.memory_space<vmem>>) target(%dma_start3A_80 : memref<32x1024xf32, #tpu.memory_space<hbm>>) target_semaphore(%run_scoped3A_76 : memref<!tpu.dma_semaphore, #tpu.memory_space<semaphore_mem>>)
      %dma_wait3A_81 = arith.constant 0 : i32
      %dma_wait3A_82 = tpu.memref_slice %arg4[%add3A_75, %dma_wait3A_81] : memref<4096x1024xf32, #tpu.memory_space<hbm>> -> memref<32x1024xf32, #tpu.memory_space<hbm>>
      %dma_wait3A_83 = arith.constant 0 : i32
      %dma_wait3A_84 = tpu.memref_slice %arg4[%add3A_75, %dma_wait3A_83] : memref<4096x1024xf32, #tpu.memory_space<hbm>> -> memref<32x1024xf32, #tpu.memory_space<hbm>>
      tpu.wait_dma2 semaphore(%run_scoped3A_76 : memref<!tpu.dma_semaphore, #tpu.memory_space<semaphore_mem>>) src(%arg7 : memref<32x1024xf32, #tpu.memory_space<vmem>>) dst(%dma_wait3A_84 : memref<32x1024xf32, #tpu.memory_space<hbm>>)
      tpu.yield
    }) : () -> ()
    return
  }
}

module attributes {stable_mosaic.version = 14 : i64} {
  func.func @_router_kernel(%arg0: i32, %arg1: memref<2048x1024xf32, #tpu.memory_space<vmem>>, %arg2: memref<8x1024xf32, #tpu.memory_space<vmem>>, %arg3: memref<32x128xi32, #tpu.memory_space<vmem>>, %arg4: memref<2048x2xf32, #tpu.memory_space<vmem>>, %arg5: memref<24x1xi32, #tpu.memory_space<vmem>>) attributes {dimension_semantics = [#tpu.dimension_semantics<arbitrary>], iteration_bounds = array<i64: 1>, scalar_prefetch = 0 : i64, scratch_operands = 0 : i64, tpu.core_type = #tpu.core_type<tc>, window_params = [{pipeline_mode = #tpu.pipeline_mode<synchronous>, transform_indices = @transform_0, window_bounds = array<i64: 2048, 1024>}, {pipeline_mode = #tpu.pipeline_mode<synchronous>, transform_indices = @transform_1, window_bounds = array<i64: 8, 1024>}, {pipeline_mode = #tpu.pipeline_mode<synchronous>, transform_indices = @transform_2, window_bounds = array<i64: 32, 128>}, {pipeline_mode = #tpu.pipeline_mode<synchronous>, transform_indices = @transform_3, window_bounds = array<i64: 2048, 2>}, {pipeline_mode = #tpu.pipeline_mode<synchronous>, transform_indices = @transform_4, window_bounds = array<i64: 24, 1>}]} {
    %get3A = arith.constant 0 : index
    %get3A_0 = arith.constant 0 : index
    %get3A_1 = vector.load %arg1[%get3A, %get3A_0] : memref<2048x1024xf32, #tpu.memory_space<vmem>>, vector<2048x1024xf32>
    %get3A_2 = arith.constant 0 : index
    %get3A_3 = arith.constant 0 : index
    %get3A_4 = vector.load %arg2[%get3A_2, %get3A_3] : memref<8x1024xf32, #tpu.memory_space<vmem>>, vector<8x1024xf32>
    %dot_general3A = arith.constant dense<0.000000e+00> : vector<2048x8xf32>
    %dot_general3A_5 = tpu.matmul %get3A_1, %get3A_4, %dot_general3A {dimension_numbers = #tpu.dot_dimension_numbers<[1], [1], [0], [0], [0, 0, 1, 0], [], []>, transpose_lhs_hint = false} : vector<2048x1024xf32>, vector<8x1024xf32>, vector<2048x8xf32> -> vector<2048x8xf32>
    %reduce_max3A = arith.constant dense<0xFF800000> : vector<2048xf32>
    %reduce_max3A_6 = vector.multi_reduction <maximumf>, %dot_general3A_5, %reduce_max3A [1] : vector<2048x8xf32> to vector<2048xf32>
    %broadcast_in_dim3A = vector.shape_cast %reduce_max3A_6 : vector<2048xf32> to vector<2048x1xf32>
    %sub3A = vector.broadcast %broadcast_in_dim3A : vector<2048x1xf32> to vector<2048x8xf32>
    %sub3A_7 = arith.subf %dot_general3A_5, %sub3A : vector<2048x8xf32>
    %exp3A = math.exp %sub3A_7 : vector<2048x8xf32>
    %reduce_sum3A = arith.constant dense<0.000000e+00> : vector<2048xf32>
    %reduce_sum3A_8 = vector.multi_reduction <add>, %exp3A, %reduce_sum3A [1] : vector<2048x8xf32> to vector<2048xf32>
    %broadcast_in_dim3A_9 = vector.shape_cast %reduce_sum3A_8 : vector<2048xf32> to vector<2048x1xf32>
    %div3A = vector.broadcast %broadcast_in_dim3A_9 : vector<2048x1xf32> to vector<2048x8xf32>
    %div3A_10 = arith.divf %exp3A, %div3A : vector<2048x8xf32>
    %iota3A = tpu.iota {dimensions = array<i32: 1>} : vector<2048x8xi32>
    %reduce_max3A_11 = arith.constant dense<0xFF800000> : vector<2048xf32>
    %reduce_max3A_12 = vector.multi_reduction <maximumf>, %div3A_10, %reduce_max3A_11 [1] : vector<2048x8xf32> to vector<2048xf32>
    %broadcast_in_dim3A_13 = vector.shape_cast %reduce_max3A_12 : vector<2048xf32> to vector<2048x1xf32>
    %argmax3A = tpu.reduce_index %div3A_10 {axis = 1 : i32, kind = #tpu.reduction_kind<arg_max>} : vector<2048x8xf32> -> vector<2048xi32>
    %broadcast_in_dim3A_14 = vector.shape_cast %argmax3A : vector<2048xi32> to vector<2048x1xi32>
    %eq3A = vector.broadcast %broadcast_in_dim3A_14 : vector<2048x1xi32> to vector<2048x8xi32>
    %eq3A_15 = arith.cmpi eq, %iota3A, %eq3A : vector<2048x8xi32>
    %jit3A = arith.constant -1.000000e+00 : f32
    %broadcast_in_dim3A_16 = vector.broadcast %jit3A : f32 to vector<2048x8xf32>
    %select_n3A = arith.select %eq3A_15, %broadcast_in_dim3A_16, %div3A_10 : vector<2048x8xi1>, vector<2048x8xf32>
    %reduce_max3A_17 = arith.constant dense<0xFF800000> : vector<2048xf32>
    %reduce_max3A_18 = vector.multi_reduction <maximumf>, %select_n3A, %reduce_max3A_17 [1] : vector<2048x8xf32> to vector<2048xf32>
    %broadcast_in_dim3A_19 = vector.shape_cast %reduce_max3A_18 : vector<2048xf32> to vector<2048x1xf32>
    %argmax3A_20 = tpu.reduce_index %select_n3A {axis = 1 : i32, kind = #tpu.reduction_kind<arg_max>} : vector<2048x8xf32> -> vector<2048xi32>
    %broadcast_in_dim3A_21 = vector.shape_cast %argmax3A_20 : vector<2048xi32> to vector<2048x1xi32>
    %concatenate3A = tpu.concatenate %broadcast_in_dim3A_13, %broadcast_in_dim3A_19 in 1 : vector<2048x1xf32>, vector<2048x1xf32> -> vector<2048x2xf32>
    %swap3A = arith.constant 0 : index
    %swap3A_22 = arith.constant 0 : index
    %swap3A_23 = vector.load %arg4[%swap3A, %swap3A_22] : memref<2048x2xf32, #tpu.memory_space<vmem>>, vector<2048x2xf32>
    tpu.vector_store %arg4[%swap3A, %swap3A_22], %concatenate3A {strides = array<i32>} : memref<2048x2xf32, #tpu.memory_space<vmem>>, vector<2048x2xf32>,
    %eq3A_24 = vector.broadcast %broadcast_in_dim3A_14 : vector<2048x1xi32> to vector<2048x8xi32>
    %eq3A_25 = arith.cmpi eq, %iota3A, %eq3A_24 : vector<2048x8xi32>
    %convert_element_type3A = arith.extui %eq3A_25 : vector<2048x8xi1> to vector<2048x8xi32>
    %convert_element_type3A_26 = arith.sitofp %convert_element_type3A : vector<2048x8xi32> to vector<2048x8xf32>
    %eq3A_27 = vector.broadcast %broadcast_in_dim3A_21 : vector<2048x1xi32> to vector<2048x8xi32>
    %eq3A_28 = arith.cmpi eq, %iota3A, %eq3A_27 : vector<2048x8xi32>
    %convert_element_type3A_29 = arith.extui %eq3A_28 : vector<2048x8xi1> to vector<2048x8xi32>
    %convert_element_type3A_30 = arith.sitofp %convert_element_type3A_29 : vector<2048x8xi32> to vector<2048x8xf32>
    %iota3A_31 = tpu.iota {dimensions = array<i32: 0>} : vector<256x256xi32>
    %iota3A_32 = tpu.iota {dimensions = array<i32: 1>} : vector<256x256xi32>
    %gt3A = arith.cmpi sgt, %iota3A_31, %iota3A_32 : vector<256x256xi32>
    %convert_element_type3A_33 = arith.extui %gt3A : vector<256x256xi1> to vector<256x256xi32>
    %convert_element_type3A_34 = arith.sitofp %convert_element_type3A_33 : vector<256x256xi32> to vector<256x256xf32>
    %broadcast_in_dim3A_35 = arith.constant 0.000000e+00 : f32
    %broadcast_in_dim3A_36 = vector.broadcast %broadcast_in_dim3A_35 : f32 to vector<1x8xf32>
    %slice3A = vector.extract_strided_slice %convert_element_type3A_26 {offsets = [0, 0], sizes = [256, 8], strides = [1, 1]} : vector<2048x8xf32> to vector<256x8xf32>
    %dot_general3A_37 = arith.constant dense<0.000000e+00> : vector<256x8xf32>
    %dot_general3A_38 = tpu.matmul %convert_element_type3A_34, %slice3A, %dot_general3A_37 {dimension_numbers = #tpu.dot_dimension_numbers<[1], [0], [0], [1], [0, 0, 1, 1], [], []>, transpose_lhs_hint = false} : vector<256x256xf32>, vector<256x8xf32>, vector<256x8xf32> -> vector<256x8xf32>
    %add3A = vector.broadcast %broadcast_in_dim3A_36 : vector<1x8xf32> to vector<256x8xf32>
    %add3A_39 = arith.addf %dot_general3A_38, %add3A : vector<256x8xf32>
    %mul3A = arith.mulf %slice3A, %add3A_39 : vector<256x8xf32>
    %reduce_sum3A_40 = arith.constant dense<0.000000e+00> : vector<256xf32>
    %reduce_sum3A_41 = vector.multi_reduction <add>, %mul3A, %reduce_sum3A_40 [1] : vector<256x8xf32> to vector<256xf32>
    %broadcast_in_dim3A_42 = vector.shape_cast %reduce_sum3A_41 : vector<256xf32> to vector<256x1xf32>
    %reduce_sum3A_43 = arith.constant dense<0.000000e+00> : vector<8xf32>
    %reduce_sum3A_44 = vector.multi_reduction <add>, %slice3A, %reduce_sum3A_43 [0] : vector<256x8xf32> to vector<8xf32>
    %broadcast_in_dim3A_45 = vector.shape_cast %reduce_sum3A_44 : vector<8xf32> to vector<1x8xf32>
    %add3A_46 = arith.addf %broadcast_in_dim3A_36, %broadcast_in_dim3A_45 : vector<1x8xf32>
    %slice3A_47 = vector.extract_strided_slice %convert_element_type3A_26 {offsets = [256, 0], sizes = [256, 8], strides = [1, 1]} : vector<2048x8xf32> to vector<256x8xf32>
    %dot_general3A_48 = arith.constant dense<0.000000e+00> : vector<256x8xf32>
    %dot_general3A_49 = tpu.matmul %convert_element_type3A_34, %slice3A_47, %dot_general3A_48 {dimension_numbers = #tpu.dot_dimension_numbers<[1], [0], [0], [1], [0, 0, 1, 1], [], []>, transpose_lhs_hint = false} : vector<256x256xf32>, vector<256x8xf32>, vector<256x8xf32> -> vector<256x8xf32>
    %add3A_50 = vector.broadcast %add3A_46 : vector<1x8xf32> to vector<256x8xf32>
    %add3A_51 = arith.addf %dot_general3A_49, %add3A_50 : vector<256x8xf32>
    %mul3A_52 = arith.mulf %slice3A_47, %add3A_51 : vector<256x8xf32>
    %reduce_sum3A_53 = arith.constant dense<0.000000e+00> : vector<256xf32>
    %reduce_sum3A_54 = vector.multi_reduction <add>, %mul3A_52, %reduce_sum3A_53 [1] : vector<256x8xf32> to vector<256xf32>
    %broadcast_in_dim3A_55 = vector.shape_cast %reduce_sum3A_54 : vector<256xf32> to vector<256x1xf32>
    %reduce_sum3A_56 = arith.constant dense<0.000000e+00> : vector<8xf32>
    %reduce_sum3A_57 = vector.multi_reduction <add>, %slice3A_47, %reduce_sum3A_56 [0] : vector<256x8xf32> to vector<8xf32>
    %broadcast_in_dim3A_58 = vector.shape_cast %reduce_sum3A_57 : vector<8xf32> to vector<1x8xf32>
    %add3A_59 = arith.addf %add3A_46, %broadcast_in_dim3A_58 : vector<1x8xf32>
    %slice3A_60 = vector.extract_strided_slice %convert_element_type3A_26 {offsets = [512, 0], sizes = [256, 8], strides = [1, 1]} : vector<2048x8xf32> to vector<256x8xf32>
    %dot_general3A_61 = arith.constant dense<0.000000e+00> : vector<256x8xf32>
    %dot_general3A_62 = tpu.matmul %convert_element_type3A_34, %slice3A_60, %dot_general3A_61 {dimension_numbers = #tpu.dot_dimension_numbers<[1], [0], [0], [1], [0, 0, 1, 1], [], []>, transpose_lhs_hint = false} : vector<256x256xf32>, vector<256x8xf32>, vector<256x8xf32> -> vector<256x8xf32>
    %add3A_63 = vector.broadcast %add3A_59 : vector<1x8xf32> to vector<256x8xf32>
    %add3A_64 = arith.addf %dot_general3A_62, %add3A_63 : vector<256x8xf32>
    %mul3A_65 = arith.mulf %slice3A_60, %add3A_64 : vector<256x8xf32>
    %reduce_sum3A_66 = arith.constant dense<0.000000e+00> : vector<256xf32>
    %reduce_sum3A_67 = vector.multi_reduction <add>, %mul3A_65, %reduce_sum3A_66 [1] : vector<256x8xf32> to vector<256xf32>
    %broadcast_in_dim3A_68 = vector.shape_cast %reduce_sum3A_67 : vector<256xf32> to vector<256x1xf32>
    %reduce_sum3A_69 = arith.constant dense<0.000000e+00> : vector<8xf32>
    %reduce_sum3A_70 = vector.multi_reduction <add>, %slice3A_60, %reduce_sum3A_69 [0] : vector<256x8xf32> to vector<8xf32>
    %broadcast_in_dim3A_71 = vector.shape_cast %reduce_sum3A_70 : vector<8xf32> to vector<1x8xf32>
    %add3A_72 = arith.addf %add3A_59, %broadcast_in_dim3A_71 : vector<1x8xf32>
    %slice3A_73 = vector.extract_strided_slice %convert_element_type3A_26 {offsets = [768, 0], sizes = [256, 8], strides = [1, 1]} : vector<2048x8xf32> to vector<256x8xf32>
    %dot_general3A_74 = arith.constant dense<0.000000e+00> : vector<256x8xf32>
    %dot_general3A_75 = tpu.matmul %convert_element_type3A_34, %slice3A_73, %dot_general3A_74 {dimension_numbers = #tpu.dot_dimension_numbers<[1], [0], [0], [1], [0, 0, 1, 1], [], []>, transpose_lhs_hint = false} : vector<256x256xf32>, vector<256x8xf32>, vector<256x8xf32> -> vector<256x8xf32>
    %add3A_76 = vector.broadcast %add3A_72 : vector<1x8xf32> to vector<256x8xf32>
    %add3A_77 = arith.addf %dot_general3A_75, %add3A_76 : vector<256x8xf32>
    %mul3A_78 = arith.mulf %slice3A_73, %add3A_77 : vector<256x8xf32>
    %reduce_sum3A_79 = arith.constant dense<0.000000e+00> : vector<256xf32>
    %reduce_sum3A_80 = vector.multi_reduction <add>, %mul3A_78, %reduce_sum3A_79 [1] : vector<256x8xf32> to vector<256xf32>
    %broadcast_in_dim3A_81 = vector.shape_cast %reduce_sum3A_80 : vector<256xf32> to vector<256x1xf32>
    %reduce_sum3A_82 = arith.constant dense<0.000000e+00> : vector<8xf32>
    %reduce_sum3A_83 = vector.multi_reduction <add>, %slice3A_73, %reduce_sum3A_82 [0] : vector<256x8xf32> to vector<8xf32>
    %broadcast_in_dim3A_84 = vector.shape_cast %reduce_sum3A_83 : vector<8xf32> to vector<1x8xf32>
    %add3A_85 = arith.addf %add3A_72, %broadcast_in_dim3A_84 : vector<1x8xf32>
    %slice3A_86 = vector.extract_strided_slice %convert_element_type3A_26 {offsets = [1024, 0], sizes = [256, 8], strides = [1, 1]} : vector<2048x8xf32> to vector<256x8xf32>
    %dot_general3A_87 = arith.constant dense<0.000000e+00> : vector<256x8xf32>
    %dot_general3A_88 = tpu.matmul %convert_element_type3A_34, %slice3A_86, %dot_general3A_87 {dimension_numbers = #tpu.dot_dimension_numbers<[1], [0], [0], [1], [0, 0, 1, 1], [], []>, transpose_lhs_hint = false} : vector<256x256xf32>, vector<256x8xf32>, vector<256x8xf32> -> vector<256x8xf32>
    %add3A_89 = vector.broadcast %add3A_85 : vector<1x8xf32> to vector<256x8xf32>
    %add3A_90 = arith.addf %dot_general3A_88, %add3A_89 : vector<256x8xf32>
    %mul3A_91 = arith.mulf %slice3A_86, %add3A_90 : vector<256x8xf32>
    %reduce_sum3A_92 = arith.constant dense<0.000000e+00> : vector<256xf32>
    %reduce_sum3A_93 = vector.multi_reduction <add>, %mul3A_91, %reduce_sum3A_92 [1] : vector<256x8xf32> to vector<256xf32>
    %broadcast_in_dim3A_94 = vector.shape_cast %reduce_sum3A_93 : vector<256xf32> to vector<256x1xf32>
    %reduce_sum3A_95 = arith.constant dense<0.000000e+00> : vector<8xf32>
    %reduce_sum3A_96 = vector.multi_reduction <add>, %slice3A_86, %reduce_sum3A_95 [0] : vector<256x8xf32> to vector<8xf32>
    %broadcast_in_dim3A_97 = vector.shape_cast %reduce_sum3A_96 : vector<8xf32> to vector<1x8xf32>
    %add3A_98 = arith.addf %add3A_85, %broadcast_in_dim3A_97 : vector<1x8xf32>
    %slice3A_99 = vector.extract_strided_slice %convert_element_type3A_26 {offsets = [1280, 0], sizes = [256, 8], strides = [1, 1]} : vector<2048x8xf32> to vector<256x8xf32>
    %dot_general3A_100 = arith.constant dense<0.000000e+00> : vector<256x8xf32>
    %dot_general3A_101 = tpu.matmul %convert_element_type3A_34, %slice3A_99, %dot_general3A_100 {dimension_numbers = #tpu.dot_dimension_numbers<[1], [0], [0], [1], [0, 0, 1, 1], [], []>, transpose_lhs_hint = false} : vector<256x256xf32>, vector<256x8xf32>, vector<256x8xf32> -> vector<256x8xf32>
    %add3A_102 = vector.broadcast %add3A_98 : vector<1x8xf32> to vector<256x8xf32>
    %add3A_103 = arith.addf %dot_general3A_101, %add3A_102 : vector<256x8xf32>
    %mul3A_104 = arith.mulf %slice3A_99, %add3A_103 : vector<256x8xf32>
    %reduce_sum3A_105 = arith.constant dense<0.000000e+00> : vector<256xf32>
    %reduce_sum3A_106 = vector.multi_reduction <add>, %mul3A_104, %reduce_sum3A_105 [1] : vector<256x8xf32> to vector<256xf32>
    %broadcast_in_dim3A_107 = vector.shape_cast %reduce_sum3A_106 : vector<256xf32> to vector<256x1xf32>
    %reduce_sum3A_108 = arith.constant dense<0.000000e+00> : vector<8xf32>
    %reduce_sum3A_109 = vector.multi_reduction <add>, %slice3A_99, %reduce_sum3A_108 [0] : vector<256x8xf32> to vector<8xf32>
    %broadcast_in_dim3A_110 = vector.shape_cast %reduce_sum3A_109 : vector<8xf32> to vector<1x8xf32>
    %add3A_111 = arith.addf %add3A_98, %broadcast_in_dim3A_110 : vector<1x8xf32>
    %slice3A_112 = vector.extract_strided_slice %convert_element_type3A_26 {offsets = [1536, 0], sizes = [256, 8], strides = [1, 1]} : vector<2048x8xf32> to vector<256x8xf32>
    %dot_general3A_113 = arith.constant dense<0.000000e+00> : vector<256x8xf32>
    %dot_general3A_114 = tpu.matmul %convert_element_type3A_34, %slice3A_112, %dot_general3A_113 {dimension_numbers = #tpu.dot_dimension_numbers<[1], [0], [0], [1], [0, 0, 1, 1], [], []>, transpose_lhs_hint = false} : vector<256x256xf32>, vector<256x8xf32>, vector<256x8xf32> -> vector<256x8xf32>
    %add3A_115 = vector.broadcast %add3A_111 : vector<1x8xf32> to vector<256x8xf32>
    %add3A_116 = arith.addf %dot_general3A_114, %add3A_115 : vector<256x8xf32>
    %mul3A_117 = arith.mulf %slice3A_112, %add3A_116 : vector<256x8xf32>
    %reduce_sum3A_118 = arith.constant dense<0.000000e+00> : vector<256xf32>
    %reduce_sum3A_119 = vector.multi_reduction <add>, %mul3A_117, %reduce_sum3A_118 [1] : vector<256x8xf32> to vector<256xf32>
    %broadcast_in_dim3A_120 = vector.shape_cast %reduce_sum3A_119 : vector<256xf32> to vector<256x1xf32>
    %reduce_sum3A_121 = arith.constant dense<0.000000e+00> : vector<8xf32>
    %reduce_sum3A_122 = vector.multi_reduction <add>, %slice3A_112, %reduce_sum3A_121 [0] : vector<256x8xf32> to vector<8xf32>
    %broadcast_in_dim3A_123 = vector.shape_cast %reduce_sum3A_122 : vector<8xf32> to vector<1x8xf32>
    %add3A_124 = arith.addf %add3A_111, %broadcast_in_dim3A_123 : vector<1x8xf32>
    %slice3A_125 = vector.extract_strided_slice %convert_element_type3A_26 {offsets = [1792, 0], sizes = [256, 8], strides = [1, 1]} : vector<2048x8xf32> to vector<256x8xf32>
    %dot_general3A_126 = arith.constant dense<0.000000e+00> : vector<256x8xf32>
    %dot_general3A_127 = tpu.matmul %convert_element_type3A_34, %slice3A_125, %dot_general3A_126 {dimension_numbers = #tpu.dot_dimension_numbers<[1], [0], [0], [1], [0, 0, 1, 1], [], []>, transpose_lhs_hint = false} : vector<256x256xf32>, vector<256x8xf32>, vector<256x8xf32> -> vector<256x8xf32>
    %add3A_128 = vector.broadcast %add3A_124 : vector<1x8xf32> to vector<256x8xf32>
    %add3A_129 = arith.addf %dot_general3A_127, %add3A_128 : vector<256x8xf32>
    %mul3A_130 = arith.mulf %slice3A_125, %add3A_129 : vector<256x8xf32>
    %reduce_sum3A_131 = arith.constant dense<0.000000e+00> : vector<256xf32>
    %reduce_sum3A_132 = vector.multi_reduction <add>, %mul3A_130, %reduce_sum3A_131 [1] : vector<256x8xf32> to vector<256xf32>
    %broadcast_in_dim3A_133 = vector.shape_cast %reduce_sum3A_132 : vector<256xf32> to vector<256x1xf32>
    %reduce_sum3A_134 = arith.constant dense<0.000000e+00> : vector<8xf32>
    %reduce_sum3A_135 = vector.multi_reduction <add>, %slice3A_125, %reduce_sum3A_134 [0] : vector<256x8xf32> to vector<8xf32>
    %broadcast_in_dim3A_136 = vector.shape_cast %reduce_sum3A_135 : vector<8xf32> to vector<1x8xf32>
    %add3A_137 = arith.addf %add3A_124, %broadcast_in_dim3A_136 : vector<1x8xf32>
    %slice3A_138 = vector.extract_strided_slice %convert_element_type3A_30 {offsets = [0, 0], sizes = [256, 8], strides = [1, 1]} : vector<2048x8xf32> to vector<256x8xf32>
    %dot_general3A_139 = arith.constant dense<0.000000e+00> : vector<256x8xf32>
    %dot_general3A_140 = tpu.matmul %convert_element_type3A_34, %slice3A_138, %dot_general3A_139 {dimension_numbers = #tpu.dot_dimension_numbers<[1], [0], [0], [1], [0, 0, 1, 1], [], []>, transpose_lhs_hint = false} : vector<256x256xf32>, vector<256x8xf32>, vector<256x8xf32> -> vector<256x8xf32>
    %add3A_141 = vector.broadcast %add3A_137 : vector<1x8xf32> to vector<256x8xf32>
    %add3A_142 = arith.addf %dot_general3A_140, %add3A_141 : vector<256x8xf32>
    %mul3A_143 = arith.mulf %slice3A_138, %add3A_142 : vector<256x8xf32>
    %reduce_sum3A_144 = arith.constant dense<0.000000e+00> : vector<256xf32>
    %reduce_sum3A_145 = vector.multi_reduction <add>, %mul3A_143, %reduce_sum3A_144 [1] : vector<256x8xf32> to vector<256xf32>
    %broadcast_in_dim3A_146 = vector.shape_cast %reduce_sum3A_145 : vector<256xf32> to vector<256x1xf32>
    %reduce_sum3A_147 = arith.constant dense<0.000000e+00> : vector<8xf32>
    %reduce_sum3A_148 = vector.multi_reduction <add>, %slice3A_138, %reduce_sum3A_147 [0] : vector<256x8xf32> to vector<8xf32>
    %broadcast_in_dim3A_149 = vector.shape_cast %reduce_sum3A_148 : vector<8xf32> to vector<1x8xf32>
    %add3A_150 = arith.addf %add3A_137, %broadcast_in_dim3A_149 : vector<1x8xf32>
    %slice3A_151 = vector.extract_strided_slice %convert_element_type3A_30 {offsets = [256, 0], sizes = [256, 8], strides = [1, 1]} : vector<2048x8xf32> to vector<256x8xf32>
    %dot_general3A_152 = arith.constant dense<0.000000e+00> : vector<256x8xf32>
    %dot_general3A_153 = tpu.matmul %convert_element_type3A_34, %slice3A_151, %dot_general3A_152 {dimension_numbers = #tpu.dot_dimension_numbers<[1], [0], [0], [1], [0, 0, 1, 1], [], []>, transpose_lhs_hint = false} : vector<256x256xf32>, vector<256x8xf32>, vector<256x8xf32> -> vector<256x8xf32>
    %add3A_154 = vector.broadcast %add3A_150 : vector<1x8xf32> to vector<256x8xf32>
    %add3A_155 = arith.addf %dot_general3A_153, %add3A_154 : vector<256x8xf32>
    %mul3A_156 = arith.mulf %slice3A_151, %add3A_155 : vector<256x8xf32>
    %reduce_sum3A_157 = arith.constant dense<0.000000e+00> : vector<256xf32>
    %reduce_sum3A_158 = vector.multi_reduction <add>, %mul3A_156, %reduce_sum3A_157 [1] : vector<256x8xf32> to vector<256xf32>
    %broadcast_in_dim3A_159 = vector.shape_cast %reduce_sum3A_158 : vector<256xf32> to vector<256x1xf32>
    %reduce_sum3A_160 = arith.constant dense<0.000000e+00> : vector<8xf32>
    %reduce_sum3A_161 = vector.multi_reduction <add>, %slice3A_151, %reduce_sum3A_160 [0] : vector<256x8xf32> to vector<8xf32>
    %broadcast_in_dim3A_162 = vector.shape_cast %reduce_sum3A_161 : vector<8xf32> to vector<1x8xf32>
    %add3A_163 = arith.addf %add3A_150, %broadcast_in_dim3A_162 : vector<1x8xf32>
    %slice3A_164 = vector.extract_strided_slice %convert_element_type3A_30 {offsets = [512, 0], sizes = [256, 8], strides = [1, 1]} : vector<2048x8xf32> to vector<256x8xf32>
    %dot_general3A_165 = arith.constant dense<0.000000e+00> : vector<256x8xf32>
    %dot_general3A_166 = tpu.matmul %convert_element_type3A_34, %slice3A_164, %dot_general3A_165 {dimension_numbers = #tpu.dot_dimension_numbers<[1], [0], [0], [1], [0, 0, 1, 1], [], []>, transpose_lhs_hint = false} : vector<256x256xf32>, vector<256x8xf32>, vector<256x8xf32> -> vector<256x8xf32>
    %add3A_167 = vector.broadcast %add3A_163 : vector<1x8xf32> to vector<256x8xf32>
    %add3A_168 = arith.addf %dot_general3A_166, %add3A_167 : vector<256x8xf32>
    %mul3A_169 = arith.mulf %slice3A_164, %add3A_168 : vector<256x8xf32>
    %reduce_sum3A_170 = arith.constant dense<0.000000e+00> : vector<256xf32>
    %reduce_sum3A_171 = vector.multi_reduction <add>, %mul3A_169, %reduce_sum3A_170 [1] : vector<256x8xf32> to vector<256xf32>
    %broadcast_in_dim3A_172 = vector.shape_cast %reduce_sum3A_171 : vector<256xf32> to vector<256x1xf32>
    %reduce_sum3A_173 = arith.constant dense<0.000000e+00> : vector<8xf32>
    %reduce_sum3A_174 = vector.multi_reduction <add>, %slice3A_164, %reduce_sum3A_173 [0] : vector<256x8xf32> to vector<8xf32>
    %broadcast_in_dim3A_175 = vector.shape_cast %reduce_sum3A_174 : vector<8xf32> to vector<1x8xf32>
    %add3A_176 = arith.addf %add3A_163, %broadcast_in_dim3A_175 : vector<1x8xf32>
    %slice3A_177 = vector.extract_strided_slice %convert_element_type3A_30 {offsets = [768, 0], sizes = [256, 8], strides = [1, 1]} : vector<2048x8xf32> to vector<256x8xf32>
    %dot_general3A_178 = arith.constant dense<0.000000e+00> : vector<256x8xf32>
    %dot_general3A_179 = tpu.matmul %convert_element_type3A_34, %slice3A_177, %dot_general3A_178 {dimension_numbers = #tpu.dot_dimension_numbers<[1], [0], [0], [1], [0, 0, 1, 1], [], []>, transpose_lhs_hint = false} : vector<256x256xf32>, vector<256x8xf32>, vector<256x8xf32> -> vector<256x8xf32>
    %add3A_180 = vector.broadcast %add3A_176 : vector<1x8xf32> to vector<256x8xf32>
    %add3A_181 = arith.addf %dot_general3A_179, %add3A_180 : vector<256x8xf32>
    %mul3A_182 = arith.mulf %slice3A_177, %add3A_181 : vector<256x8xf32>
    %reduce_sum3A_183 = arith.constant dense<0.000000e+00> : vector<256xf32>
    %reduce_sum3A_184 = vector.multi_reduction <add>, %mul3A_182, %reduce_sum3A_183 [1] : vector<256x8xf32> to vector<256xf32>
    %broadcast_in_dim3A_185 = vector.shape_cast %reduce_sum3A_184 : vector<256xf32> to vector<256x1xf32>
    %reduce_sum3A_186 = arith.constant dense<0.000000e+00> : vector<8xf32>
    %reduce_sum3A_187 = vector.multi_reduction <add>, %slice3A_177, %reduce_sum3A_186 [0] : vector<256x8xf32> to vector<8xf32>
    %broadcast_in_dim3A_188 = vector.shape_cast %reduce_sum3A_187 : vector<8xf32> to vector<1x8xf32>
    %add3A_189 = arith.addf %add3A_176, %broadcast_in_dim3A_188 : vector<1x8xf32>
    %slice3A_190 = vector.extract_strided_slice %convert_element_type3A_30 {offsets = [1024, 0], sizes = [256, 8], strides = [1, 1]} : vector<2048x8xf32> to vector<256x8xf32>
    %dot_general3A_191 = arith.constant dense<0.000000e+00> : vector<256x8xf32>
    %dot_general3A_192 = tpu.matmul %convert_element_type3A_34, %slice3A_190, %dot_general3A_191 {dimension_numbers = #tpu.dot_dimension_numbers<[1], [0], [0], [1], [0, 0, 1, 1], [], []>, transpose_lhs_hint = false} : vector<256x256xf32>, vector<256x8xf32>, vector<256x8xf32> -> vector<256x8xf32>
    %add3A_193 = vector.broadcast %add3A_189 : vector<1x8xf32> to vector<256x8xf32>
    %add3A_194 = arith.addf %dot_general3A_192, %add3A_193 : vector<256x8xf32>
    %mul3A_195 = arith.mulf %slice3A_190, %add3A_194 : vector<256x8xf32>
    %reduce_sum3A_196 = arith.constant dense<0.000000e+00> : vector<256xf32>
    %reduce_sum3A_197 = vector.multi_reduction <add>, %mul3A_195, %reduce_sum3A_196 [1] : vector<256x8xf32> to vector<256xf32>
    %broadcast_in_dim3A_198 = vector.shape_cast %reduce_sum3A_197 : vector<256xf32> to vector<256x1xf32>
    %reduce_sum3A_199 = arith.constant dense<0.000000e+00> : vector<8xf32>
    %reduce_sum3A_200 = vector.multi_reduction <add>, %slice3A_190, %reduce_sum3A_199 [0] : vector<256x8xf32> to vector<8xf32>
    %broadcast_in_dim3A_201 = vector.shape_cast %reduce_sum3A_200 : vector<8xf32> to vector<1x8xf32>
    %add3A_202 = arith.addf %add3A_189, %broadcast_in_dim3A_201 : vector<1x8xf32>
    %slice3A_203 = vector.extract_strided_slice %convert_element_type3A_30 {offsets = [1280, 0], sizes = [256, 8], strides = [1, 1]} : vector<2048x8xf32> to vector<256x8xf32>
    %dot_general3A_204 = arith.constant dense<0.000000e+00> : vector<256x8xf32>
    %dot_general3A_205 = tpu.matmul %convert_element_type3A_34, %slice3A_203, %dot_general3A_204 {dimension_numbers = #tpu.dot_dimension_numbers<[1], [0], [0], [1], [0, 0, 1, 1], [], []>, transpose_lhs_hint = false} : vector<256x256xf32>, vector<256x8xf32>, vector<256x8xf32> -> vector<256x8xf32>
    %add3A_206 = vector.broadcast %add3A_202 : vector<1x8xf32> to vector<256x8xf32>
    %add3A_207 = arith.addf %dot_general3A_205, %add3A_206 : vector<256x8xf32>
    %mul3A_208 = arith.mulf %slice3A_203, %add3A_207 : vector<256x8xf32>
    %reduce_sum3A_209 = arith.constant dense<0.000000e+00> : vector<256xf32>
    %reduce_sum3A_210 = vector.multi_reduction <add>, %mul3A_208, %reduce_sum3A_209 [1] : vector<256x8xf32> to vector<256xf32>
    %broadcast_in_dim3A_211 = vector.shape_cast %reduce_sum3A_210 : vector<256xf32> to vector<256x1xf32>
    %reduce_sum3A_212 = arith.constant dense<0.000000e+00> : vector<8xf32>
    %reduce_sum3A_213 = vector.multi_reduction <add>, %slice3A_203, %reduce_sum3A_212 [0] : vector<256x8xf32> to vector<8xf32>
    %broadcast_in_dim3A_214 = vector.shape_cast %reduce_sum3A_213 : vector<8xf32> to vector<1x8xf32>
    %add3A_215 = arith.addf %add3A_202, %broadcast_in_dim3A_214 : vector<1x8xf32>
    %slice3A_216 = vector.extract_strided_slice %convert_element_type3A_30 {offsets = [1536, 0], sizes = [256, 8], strides = [1, 1]} : vector<2048x8xf32> to vector<256x8xf32>
    %dot_general3A_217 = arith.constant dense<0.000000e+00> : vector<256x8xf32>
    %dot_general3A_218 = tpu.matmul %convert_element_type3A_34, %slice3A_216, %dot_general3A_217 {dimension_numbers = #tpu.dot_dimension_numbers<[1], [0], [0], [1], [0, 0, 1, 1], [], []>, transpose_lhs_hint = false} : vector<256x256xf32>, vector<256x8xf32>, vector<256x8xf32> -> vector<256x8xf32>
    %add3A_219 = vector.broadcast %add3A_215 : vector<1x8xf32> to vector<256x8xf32>
    %add3A_220 = arith.addf %dot_general3A_218, %add3A_219 : vector<256x8xf32>
    %mul3A_221 = arith.mulf %slice3A_216, %add3A_220 : vector<256x8xf32>
    %reduce_sum3A_222 = arith.constant dense<0.000000e+00> : vector<256xf32>
    %reduce_sum3A_223 = vector.multi_reduction <add>, %mul3A_221, %reduce_sum3A_222 [1] : vector<256x8xf32> to vector<256xf32>
    %broadcast_in_dim3A_224 = vector.shape_cast %reduce_sum3A_223 : vector<256xf32> to vector<256x1xf32>
    %reduce_sum3A_225 = arith.constant dense<0.000000e+00> : vector<8xf32>
    %reduce_sum3A_226 = vector.multi_reduction <add>, %slice3A_216, %reduce_sum3A_225 [0] : vector<256x8xf32> to vector<8xf32>
    %broadcast_in_dim3A_227 = vector.shape_cast %reduce_sum3A_226 : vector<8xf32> to vector<1x8xf32>
    %add3A_228 = arith.addf %add3A_215, %broadcast_in_dim3A_227 : vector<1x8xf32>
    %slice3A_229 = vector.extract_strided_slice %convert_element_type3A_30 {offsets = [1792, 0], sizes = [256, 8], strides = [1, 1]} : vector<2048x8xf32> to vector<256x8xf32>
    %dot_general3A_230 = arith.constant dense<0.000000e+00> : vector<256x8xf32>
    %dot_general3A_231 = tpu.matmul %convert_element_type3A_34, %slice3A_229, %dot_general3A_230 {dimension_numbers = #tpu.dot_dimension_numbers<[1], [0], [0], [1], [0, 0, 1, 1], [], []>, transpose_lhs_hint = false} : vector<256x256xf32>, vector<256x8xf32>, vector<256x8xf32> -> vector<256x8xf32>
    %add3A_232 = vector.broadcast %add3A_228 : vector<1x8xf32> to vector<256x8xf32>
    %add3A_233 = arith.addf %dot_general3A_231, %add3A_232 : vector<256x8xf32>
    %mul3A_234 = arith.mulf %slice3A_229, %add3A_233 : vector<256x8xf32>
    %reduce_sum3A_235 = arith.constant dense<0.000000e+00> : vector<256xf32>
    %reduce_sum3A_236 = vector.multi_reduction <add>, %mul3A_234, %reduce_sum3A_235 [1] : vector<256x8xf32> to vector<256xf32>
    %broadcast_in_dim3A_237 = vector.shape_cast %reduce_sum3A_236 : vector<256xf32> to vector<256x1xf32>
    %reduce_sum3A_238 = arith.constant dense<0.000000e+00> : vector<8xf32>
    %reduce_sum3A_239 = vector.multi_reduction <add>, %slice3A_229, %reduce_sum3A_238 [0] : vector<256x8xf32> to vector<8xf32>
    %broadcast_in_dim3A_240 = vector.shape_cast %reduce_sum3A_239 : vector<8xf32> to vector<1x8xf32>
    %add3A_241 = arith.addf %add3A_228, %broadcast_in_dim3A_240 : vector<1x8xf32>
    %convert_element_type3A_242 = arith.fptosi %add3A_241 : vector<1x8xf32> to vector<1x8xi32>
    %add3A_243 = arith.constant 511 : i32
    %add3A_244 = vector.broadcast %add3A_243 : i32 to vector<1x8xi32>
    %add3A_245 = arith.addi %convert_element_type3A_242, %add3A_244 : vector<1x8xi32>
    %shift_right_logical3A = arith.constant 9 : i32
    %shift_right_logical3A_246 = vector.broadcast %shift_right_logical3A : i32 to vector<1x8xi32>
    %shift_right_logical3A_247 = arith.shrui %add3A_245, %shift_right_logical3A_246 : vector<1x8xi32>
    %iota3A_248 = tpu.iota {dimensions = array<i32: 0>} : vector<8x8xi32>
    %iota3A_249 = tpu.iota {dimensions = array<i32: 1>} : vector<8x8xi32>
    %lt3A = arith.cmpi slt, %iota3A_248, %iota3A_249 : vector<8x8xi32>
    %convert_element_type3A_250 = arith.extui %lt3A : vector<8x8xi1> to vector<8x8xi32>
    %convert_element_type3A_251 = arith.sitofp %convert_element_type3A_250 : vector<8x8xi32> to vector<8x8xf32>
    %convert_element_type3A_252 = arith.sitofp %shift_right_logical3A_247 : vector<1x8xi32> to vector<1x8xf32>
    %dot_general3A_253 = arith.constant dense<0.000000e+00> : vector<1x8xf32>
    %dot_general3A_254 = tpu.matmul %convert_element_type3A_252, %convert_element_type3A_251, %dot_general3A_253 {dimension_numbers = #tpu.dot_dimension_numbers<[1], [0], [0], [1], [0, 0, 1, 1], [], []>, transpose_lhs_hint = false} : vector<1x8xf32>, vector<8x8xf32>, vector<1x8xf32> -> vector<1x8xf32>
    %mul3A_255 = arith.constant 5.120000e+02 : f32
    %mul3A_256 = vector.broadcast %mul3A_255 : f32 to vector<1x8xf32>
    %mul3A_257 = arith.mulf %dot_general3A_254, %mul3A_256 : vector<1x8xf32>
    %slice3A_258 = vector.extract_strided_slice %convert_element_type3A_26 {offsets = [0, 0], sizes = [256, 8], strides = [1, 1]} : vector<2048x8xf32> to vector<256x8xf32>
    %mul3A_259 = vector.broadcast %mul3A_257 : vector<1x8xf32> to vector<256x8xf32>
    %mul3A_260 = arith.mulf %slice3A_258, %mul3A_259 : vector<256x8xf32>
    %reduce_sum3A_261 = arith.constant dense<0.000000e+00> : vector<256xf32>
    %reduce_sum3A_262 = vector.multi_reduction <add>, %mul3A_260, %reduce_sum3A_261 [1] : vector<256x8xf32> to vector<256xf32>
    %broadcast_in_dim3A_263 = vector.shape_cast %reduce_sum3A_262 : vector<256xf32> to vector<256x1xf32>
    %add3A_264 = arith.addf %broadcast_in_dim3A_42, %broadcast_in_dim3A_263 : vector<256x1xf32>
    %convert_element_type3A_265 = arith.fptosi %add3A_264 : vector<256x1xf32> to vector<256x1xi32>
    %reshape3A = vector.shape_cast %convert_element_type3A_265 : vector<256x1xi32> to vector<2x128xi32>
    %swap3A_266 = arith.constant 0 : index
    %swap3A_267 = arith.constant 0 : index
    %swap3A_268 = vector.load %arg3[%swap3A_266, %swap3A_267] : memref<32x128xi32, #tpu.memory_space<vmem>>, vector<2x128xi32>
    tpu.vector_store %arg3[%swap3A_266, %swap3A_267], %reshape3A {strides = array<i32>} : memref<32x128xi32, #tpu.memory_space<vmem>>, vector<2x128xi32>,
    %slice3A_269 = vector.extract_strided_slice %convert_element_type3A_26 {offsets = [256, 0], sizes = [256, 8], strides = [1, 1]} : vector<2048x8xf32> to vector<256x8xf32>
    %mul3A_270 = vector.broadcast %mul3A_257 : vector<1x8xf32> to vector<256x8xf32>
    %mul3A_271 = arith.mulf %slice3A_269, %mul3A_270 : vector<256x8xf32>
    %reduce_sum3A_272 = arith.constant dense<0.000000e+00> : vector<256xf32>
    %reduce_sum3A_273 = vector.multi_reduction <add>, %mul3A_271, %reduce_sum3A_272 [1] : vector<256x8xf32> to vector<256xf32>
    %broadcast_in_dim3A_274 = vector.shape_cast %reduce_sum3A_273 : vector<256xf32> to vector<256x1xf32>
    %add3A_275 = arith.addf %broadcast_in_dim3A_55, %broadcast_in_dim3A_274 : vector<256x1xf32>
    %convert_element_type3A_276 = arith.fptosi %add3A_275 : vector<256x1xf32> to vector<256x1xi32>
    %reshape3A_277 = vector.shape_cast %convert_element_type3A_276 : vector<256x1xi32> to vector<2x128xi32>
    %swap3A_278 = arith.constant 2 : index
    %swap3A_279 = arith.constant 0 : index
    %swap3A_280 = vector.load %arg3[%swap3A_278, %swap3A_279] : memref<32x128xi32, #tpu.memory_space<vmem>>, vector<2x128xi32>
    tpu.vector_store %arg3[%swap3A_278, %swap3A_279], %reshape3A_277 {strides = array<i32>} : memref<32x128xi32, #tpu.memory_space<vmem>>, vector<2x128xi32>,
    %slice3A_281 = vector.extract_strided_slice %convert_element_type3A_26 {offsets = [512, 0], sizes = [256, 8], strides = [1, 1]} : vector<2048x8xf32> to vector<256x8xf32>
    %mul3A_282 = vector.broadcast %mul3A_257 : vector<1x8xf32> to vector<256x8xf32>
    %mul3A_283 = arith.mulf %slice3A_281, %mul3A_282 : vector<256x8xf32>
    %reduce_sum3A_284 = arith.constant dense<0.000000e+00> : vector<256xf32>
    %reduce_sum3A_285 = vector.multi_reduction <add>, %mul3A_283, %reduce_sum3A_284 [1] : vector<256x8xf32> to vector<256xf32>
    %broadcast_in_dim3A_286 = vector.shape_cast %reduce_sum3A_285 : vector<256xf32> to vector<256x1xf32>
    %add3A_287 = arith.addf %broadcast_in_dim3A_68, %broadcast_in_dim3A_286 : vector<256x1xf32>
    %convert_element_type3A_288 = arith.fptosi %add3A_287 : vector<256x1xf32> to vector<256x1xi32>
    %reshape3A_289 = vector.shape_cast %convert_element_type3A_288 : vector<256x1xi32> to vector<2x128xi32>
    %swap3A_290 = arith.constant 4 : index
    %swap3A_291 = arith.constant 0 : index
    %swap3A_292 = vector.load %arg3[%swap3A_290, %swap3A_291] : memref<32x128xi32, #tpu.memory_space<vmem>>, vector<2x128xi32>
    tpu.vector_store %arg3[%swap3A_290, %swap3A_291], %reshape3A_289 {strides = array<i32>} : memref<32x128xi32, #tpu.memory_space<vmem>>, vector<2x128xi32>,
    %slice3A_293 = vector.extract_strided_slice %convert_element_type3A_26 {offsets = [768, 0], sizes = [256, 8], strides = [1, 1]} : vector<2048x8xf32> to vector<256x8xf32>
    %mul3A_294 = vector.broadcast %mul3A_257 : vector<1x8xf32> to vector<256x8xf32>
    %mul3A_295 = arith.mulf %slice3A_293, %mul3A_294 : vector<256x8xf32>
    %reduce_sum3A_296 = arith.constant dense<0.000000e+00> : vector<256xf32>
    %reduce_sum3A_297 = vector.multi_reduction <add>, %mul3A_295, %reduce_sum3A_296 [1] : vector<256x8xf32> to vector<256xf32>
    %broadcast_in_dim3A_298 = vector.shape_cast %reduce_sum3A_297 : vector<256xf32> to vector<256x1xf32>
    %add3A_299 = arith.addf %broadcast_in_dim3A_81, %broadcast_in_dim3A_298 : vector<256x1xf32>
    %convert_element_type3A_300 = arith.fptosi %add3A_299 : vector<256x1xf32> to vector<256x1xi32>
    %reshape3A_301 = vector.shape_cast %convert_element_type3A_300 : vector<256x1xi32> to vector<2x128xi32>
    %swap3A_302 = arith.constant 6 : index
    %swap3A_303 = arith.constant 0 : index
    %swap3A_304 = vector.load %arg3[%swap3A_302, %swap3A_303] : memref<32x128xi32, #tpu.memory_space<vmem>>, vector<2x128xi32>
    tpu.vector_store %arg3[%swap3A_302, %swap3A_303], %reshape3A_301 {strides = array<i32>} : memref<32x128xi32, #tpu.memory_space<vmem>>, vector<2x128xi32>,
    %slice3A_305 = vector.extract_strided_slice %convert_element_type3A_26 {offsets = [1024, 0], sizes = [256, 8], strides = [1, 1]} : vector<2048x8xf32> to vector<256x8xf32>
    %mul3A_306 = vector.broadcast %mul3A_257 : vector<1x8xf32> to vector<256x8xf32>
    %mul3A_307 = arith.mulf %slice3A_305, %mul3A_306 : vector<256x8xf32>
    %reduce_sum3A_308 = arith.constant dense<0.000000e+00> : vector<256xf32>
    %reduce_sum3A_309 = vector.multi_reduction <add>, %mul3A_307, %reduce_sum3A_308 [1] : vector<256x8xf32> to vector<256xf32>
    %broadcast_in_dim3A_310 = vector.shape_cast %reduce_sum3A_309 : vector<256xf32> to vector<256x1xf32>
    %add3A_311 = arith.addf %broadcast_in_dim3A_94, %broadcast_in_dim3A_310 : vector<256x1xf32>
    %convert_element_type3A_312 = arith.fptosi %add3A_311 : vector<256x1xf32> to vector<256x1xi32>
    %reshape3A_313 = vector.shape_cast %convert_element_type3A_312 : vector<256x1xi32> to vector<2x128xi32>
    %swap3A_314 = arith.constant 8 : index
    %swap3A_315 = arith.constant 0 : index
    %swap3A_316 = vector.load %arg3[%swap3A_314, %swap3A_315] : memref<32x128xi32, #tpu.memory_space<vmem>>, vector<2x128xi32>
    tpu.vector_store %arg3[%swap3A_314, %swap3A_315], %reshape3A_313 {strides = array<i32>} : memref<32x128xi32, #tpu.memory_space<vmem>>, vector<2x128xi32>,
    %slice3A_317 = vector.extract_strided_slice %convert_element_type3A_26 {offsets = [1280, 0], sizes = [256, 8], strides = [1, 1]} : vector<2048x8xf32> to vector<256x8xf32>
    %mul3A_318 = vector.broadcast %mul3A_257 : vector<1x8xf32> to vector<256x8xf32>
    %mul3A_319 = arith.mulf %slice3A_317, %mul3A_318 : vector<256x8xf32>
    %reduce_sum3A_320 = arith.constant dense<0.000000e+00> : vector<256xf32>
    %reduce_sum3A_321 = vector.multi_reduction <add>, %mul3A_319, %reduce_sum3A_320 [1] : vector<256x8xf32> to vector<256xf32>
    %broadcast_in_dim3A_322 = vector.shape_cast %reduce_sum3A_321 : vector<256xf32> to vector<256x1xf32>
    %add3A_323 = arith.addf %broadcast_in_dim3A_107, %broadcast_in_dim3A_322 : vector<256x1xf32>
    %convert_element_type3A_324 = arith.fptosi %add3A_323 : vector<256x1xf32> to vector<256x1xi32>
    %reshape3A_325 = vector.shape_cast %convert_element_type3A_324 : vector<256x1xi32> to vector<2x128xi32>
    %swap3A_326 = arith.constant 10 : index
    %swap3A_327 = arith.constant 0 : index
    %swap3A_328 = vector.load %arg3[%swap3A_326, %swap3A_327] : memref<32x128xi32, #tpu.memory_space<vmem>>, vector<2x128xi32>
    tpu.vector_store %arg3[%swap3A_326, %swap3A_327], %reshape3A_325 {strides = array<i32>} : memref<32x128xi32, #tpu.memory_space<vmem>>, vector<2x128xi32>,
    %slice3A_329 = vector.extract_strided_slice %convert_element_type3A_26 {offsets = [1536, 0], sizes = [256, 8], strides = [1, 1]} : vector<2048x8xf32> to vector<256x8xf32>
    %mul3A_330 = vector.broadcast %mul3A_257 : vector<1x8xf32> to vector<256x8xf32>
    %mul3A_331 = arith.mulf %slice3A_329, %mul3A_330 : vector<256x8xf32>
    %reduce_sum3A_332 = arith.constant dense<0.000000e+00> : vector<256xf32>
    %reduce_sum3A_333 = vector.multi_reduction <add>, %mul3A_331, %reduce_sum3A_332 [1] : vector<256x8xf32> to vector<256xf32>
    %broadcast_in_dim3A_334 = vector.shape_cast %reduce_sum3A_333 : vector<256xf32> to vector<256x1xf32>
    %add3A_335 = arith.addf %broadcast_in_dim3A_120, %broadcast_in_dim3A_334 : vector<256x1xf32>
    %convert_element_type3A_336 = arith.fptosi %add3A_335 : vector<256x1xf32> to vector<256x1xi32>
    %reshape3A_337 = vector.shape_cast %convert_element_type3A_336 : vector<256x1xi32> to vector<2x128xi32>
    %swap3A_338 = arith.constant 12 : index
    %swap3A_339 = arith.constant 0 : index
    %swap3A_340 = vector.load %arg3[%swap3A_338, %swap3A_339] : memref<32x128xi32, #tpu.memory_space<vmem>>, vector<2x128xi32>
    tpu.vector_store %arg3[%swap3A_338, %swap3A_339], %reshape3A_337 {strides = array<i32>} : memref<32x128xi32, #tpu.memory_space<vmem>>, vector<2x128xi32>,
    %slice3A_341 = vector.extract_strided_slice %convert_element_type3A_26 {offsets = [1792, 0], sizes = [256, 8], strides = [1, 1]} : vector<2048x8xf32> to vector<256x8xf32>
    %mul3A_342 = vector.broadcast %mul3A_257 : vector<1x8xf32> to vector<256x8xf32>
    %mul3A_343 = arith.mulf %slice3A_341, %mul3A_342 : vector<256x8xf32>
    %reduce_sum3A_344 = arith.constant dense<0.000000e+00> : vector<256xf32>
    %reduce_sum3A_345 = vector.multi_reduction <add>, %mul3A_343, %reduce_sum3A_344 [1] : vector<256x8xf32> to vector<256xf32>
    %broadcast_in_dim3A_346 = vector.shape_cast %reduce_sum3A_345 : vector<256xf32> to vector<256x1xf32>
    %add3A_347 = arith.addf %broadcast_in_dim3A_133, %broadcast_in_dim3A_346 : vector<256x1xf32>
    %convert_element_type3A_348 = arith.fptosi %add3A_347 : vector<256x1xf32> to vector<256x1xi32>
    %reshape3A_349 = vector.shape_cast %convert_element_type3A_348 : vector<256x1xi32> to vector<2x128xi32>
    %swap3A_350 = arith.constant 14 : index
    %swap3A_351 = arith.constant 0 : index
    %swap3A_352 = vector.load %arg3[%swap3A_350, %swap3A_351] : memref<32x128xi32, #tpu.memory_space<vmem>>, vector<2x128xi32>
    tpu.vector_store %arg3[%swap3A_350, %swap3A_351], %reshape3A_349 {strides = array<i32>} : memref<32x128xi32, #tpu.memory_space<vmem>>, vector<2x128xi32>,
    %slice3A_353 = vector.extract_strided_slice %convert_element_type3A_30 {offsets = [0, 0], sizes = [256, 8], strides = [1, 1]} : vector<2048x8xf32> to vector<256x8xf32>
    %mul3A_354 = vector.broadcast %mul3A_257 : vector<1x8xf32> to vector<256x8xf32>
    %mul3A_355 = arith.mulf %slice3A_353, %mul3A_354 : vector<256x8xf32>
    %reduce_sum3A_356 = arith.constant dense<0.000000e+00> : vector<256xf32>
    %reduce_sum3A_357 = vector.multi_reduction <add>, %mul3A_355, %reduce_sum3A_356 [1] : vector<256x8xf32> to vector<256xf32>
    %broadcast_in_dim3A_358 = vector.shape_cast %reduce_sum3A_357 : vector<256xf32> to vector<256x1xf32>
    %add3A_359 = arith.addf %broadcast_in_dim3A_146, %broadcast_in_dim3A_358 : vector<256x1xf32>
    %convert_element_type3A_360 = arith.fptosi %add3A_359 : vector<256x1xf32> to vector<256x1xi32>
    %reshape3A_361 = vector.shape_cast %convert_element_type3A_360 : vector<256x1xi32> to vector<2x128xi32>
    %swap3A_362 = arith.constant 16 : index
    %swap3A_363 = arith.constant 0 : index
    %swap3A_364 = vector.load %arg3[%swap3A_362, %swap3A_363] : memref<32x128xi32, #tpu.memory_space<vmem>>, vector<2x128xi32>
    tpu.vector_store %arg3[%swap3A_362, %swap3A_363], %reshape3A_361 {strides = array<i32>} : memref<32x128xi32, #tpu.memory_space<vmem>>, vector<2x128xi32>,
    %slice3A_365 = vector.extract_strided_slice %convert_element_type3A_30 {offsets = [256, 0], sizes = [256, 8], strides = [1, 1]} : vector<2048x8xf32> to vector<256x8xf32>
    %mul3A_366 = vector.broadcast %mul3A_257 : vector<1x8xf32> to vector<256x8xf32>
    %mul3A_367 = arith.mulf %slice3A_365, %mul3A_366 : vector<256x8xf32>
    %reduce_sum3A_368 = arith.constant dense<0.000000e+00> : vector<256xf32>
    %reduce_sum3A_369 = vector.multi_reduction <add>, %mul3A_367, %reduce_sum3A_368 [1] : vector<256x8xf32> to vector<256xf32>
    %broadcast_in_dim3A_370 = vector.shape_cast %reduce_sum3A_369 : vector<256xf32> to vector<256x1xf32>
    %add3A_371 = arith.addf %broadcast_in_dim3A_159, %broadcast_in_dim3A_370 : vector<256x1xf32>
    %convert_element_type3A_372 = arith.fptosi %add3A_371 : vector<256x1xf32> to vector<256x1xi32>
    %reshape3A_373 = vector.shape_cast %convert_element_type3A_372 : vector<256x1xi32> to vector<2x128xi32>
    %swap3A_374 = arith.constant 18 : index
    %swap3A_375 = arith.constant 0 : index
    %swap3A_376 = vector.load %arg3[%swap3A_374, %swap3A_375] : memref<32x128xi32, #tpu.memory_space<vmem>>, vector<2x128xi32>
    tpu.vector_store %arg3[%swap3A_374, %swap3A_375], %reshape3A_373 {strides = array<i32>} : memref<32x128xi32, #tpu.memory_space<vmem>>, vector<2x128xi32>,
    %slice3A_377 = vector.extract_strided_slice %convert_element_type3A_30 {offsets = [512, 0], sizes = [256, 8], strides = [1, 1]} : vector<2048x8xf32> to vector<256x8xf32>
    %mul3A_378 = vector.broadcast %mul3A_257 : vector<1x8xf32> to vector<256x8xf32>
    %mul3A_379 = arith.mulf %slice3A_377, %mul3A_378 : vector<256x8xf32>
    %reduce_sum3A_380 = arith.constant dense<0.000000e+00> : vector<256xf32>
    %reduce_sum3A_381 = vector.multi_reduction <add>, %mul3A_379, %reduce_sum3A_380 [1] : vector<256x8xf32> to vector<256xf32>
    %broadcast_in_dim3A_382 = vector.shape_cast %reduce_sum3A_381 : vector<256xf32> to vector<256x1xf32>
    %add3A_383 = arith.addf %broadcast_in_dim3A_172, %broadcast_in_dim3A_382 : vector<256x1xf32>
    %convert_element_type3A_384 = arith.fptosi %add3A_383 : vector<256x1xf32> to vector<256x1xi32>
    %reshape3A_385 = vector.shape_cast %convert_element_type3A_384 : vector<256x1xi32> to vector<2x128xi32>
    %swap3A_386 = arith.constant 20 : index
    %swap3A_387 = arith.constant 0 : index
    %swap3A_388 = vector.load %arg3[%swap3A_386, %swap3A_387] : memref<32x128xi32, #tpu.memory_space<vmem>>, vector<2x128xi32>
    tpu.vector_store %arg3[%swap3A_386, %swap3A_387], %reshape3A_385 {strides = array<i32>} : memref<32x128xi32, #tpu.memory_space<vmem>>, vector<2x128xi32>,
    %slice3A_389 = vector.extract_strided_slice %convert_element_type3A_30 {offsets = [768, 0], sizes = [256, 8], strides = [1, 1]} : vector<2048x8xf32> to vector<256x8xf32>
    %mul3A_390 = vector.broadcast %mul3A_257 : vector<1x8xf32> to vector<256x8xf32>
    %mul3A_391 = arith.mulf %slice3A_389, %mul3A_390 : vector<256x8xf32>
    %reduce_sum3A_392 = arith.constant dense<0.000000e+00> : vector<256xf32>
    %reduce_sum3A_393 = vector.multi_reduction <add>, %mul3A_391, %reduce_sum3A_392 [1] : vector<256x8xf32> to vector<256xf32>
    %broadcast_in_dim3A_394 = vector.shape_cast %reduce_sum3A_393 : vector<256xf32> to vector<256x1xf32>
    %add3A_395 = arith.addf %broadcast_in_dim3A_185, %broadcast_in_dim3A_394 : vector<256x1xf32>
    %convert_element_type3A_396 = arith.fptosi %add3A_395 : vector<256x1xf32> to vector<256x1xi32>
    %reshape3A_397 = vector.shape_cast %convert_element_type3A_396 : vector<256x1xi32> to vector<2x128xi32>
    %swap3A_398 = arith.constant 22 : index
    %swap3A_399 = arith.constant 0 : index
    %swap3A_400 = vector.load %arg3[%swap3A_398, %swap3A_399] : memref<32x128xi32, #tpu.memory_space<vmem>>, vector<2x128xi32>
    tpu.vector_store %arg3[%swap3A_398, %swap3A_399], %reshape3A_397 {strides = array<i32>} : memref<32x128xi32, #tpu.memory_space<vmem>>, vector<2x128xi32>,
    %slice3A_401 = vector.extract_strided_slice %convert_element_type3A_30 {offsets = [1024, 0], sizes = [256, 8], strides = [1, 1]} : vector<2048x8xf32> to vector<256x8xf32>
    %mul3A_402 = vector.broadcast %mul3A_257 : vector<1x8xf32> to vector<256x8xf32>
    %mul3A_403 = arith.mulf %slice3A_401, %mul3A_402 : vector<256x8xf32>
    %reduce_sum3A_404 = arith.constant dense<0.000000e+00> : vector<256xf32>
    %reduce_sum3A_405 = vector.multi_reduction <add>, %mul3A_403, %reduce_sum3A_404 [1] : vector<256x8xf32> to vector<256xf32>
    %broadcast_in_dim3A_406 = vector.shape_cast %reduce_sum3A_405 : vector<256xf32> to vector<256x1xf32>
    %add3A_407 = arith.addf %broadcast_in_dim3A_198, %broadcast_in_dim3A_406 : vector<256x1xf32>
    %convert_element_type3A_408 = arith.fptosi %add3A_407 : vector<256x1xf32> to vector<256x1xi32>
    %reshape3A_409 = vector.shape_cast %convert_element_type3A_408 : vector<256x1xi32> to vector<2x128xi32>
    %swap3A_410 = arith.constant 24 : index
    %swap3A_411 = arith.constant 0 : index
    %swap3A_412 = vector.load %arg3[%swap3A_410, %swap3A_411] : memref<32x128xi32, #tpu.memory_space<vmem>>, vector<2x128xi32>
    tpu.vector_store %arg3[%swap3A_410, %swap3A_411], %reshape3A_409 {strides = array<i32>} : memref<32x128xi32, #tpu.memory_space<vmem>>, vector<2x128xi32>,
    %slice3A_413 = vector.extract_strided_slice %convert_element_type3A_30 {offsets = [1280, 0], sizes = [256, 8], strides = [1, 1]} : vector<2048x8xf32> to vector<256x8xf32>
    %mul3A_414 = vector.broadcast %mul3A_257 : vector<1x8xf32> to vector<256x8xf32>
    %mul3A_415 = arith.mulf %slice3A_413, %mul3A_414 : vector<256x8xf32>
    %reduce_sum3A_416 = arith.constant dense<0.000000e+00> : vector<256xf32>
    %reduce_sum3A_417 = vector.multi_reduction <add>, %mul3A_415, %reduce_sum3A_416 [1] : vector<256x8xf32> to vector<256xf32>
    %broadcast_in_dim3A_418 = vector.shape_cast %reduce_sum3A_417 : vector<256xf32> to vector<256x1xf32>
    %add3A_419 = arith.addf %broadcast_in_dim3A_211, %broadcast_in_dim3A_418 : vector<256x1xf32>
    %convert_element_type3A_420 = arith.fptosi %add3A_419 : vector<256x1xf32> to vector<256x1xi32>
    %reshape3A_421 = vector.shape_cast %convert_element_type3A_420 : vector<256x1xi32> to vector<2x128xi32>
    %swap3A_422 = arith.constant 26 : index
    %swap3A_423 = arith.constant 0 : index
    %swap3A_424 = vector.load %arg3[%swap3A_422, %swap3A_423] : memref<32x128xi32, #tpu.memory_space<vmem>>, vector<2x128xi32>
    tpu.vector_store %arg3[%swap3A_422, %swap3A_423], %reshape3A_421 {strides = array<i32>} : memref<32x128xi32, #tpu.memory_space<vmem>>, vector<2x128xi32>,
    %slice3A_425 = vector.extract_strided_slice %convert_element_type3A_30 {offsets = [1536, 0], sizes = [256, 8], strides = [1, 1]} : vector<2048x8xf32> to vector<256x8xf32>
    %mul3A_426 = vector.broadcast %mul3A_257 : vector<1x8xf32> to vector<256x8xf32>
    %mul3A_427 = arith.mulf %slice3A_425, %mul3A_426 : vector<256x8xf32>
    %reduce_sum3A_428 = arith.constant dense<0.000000e+00> : vector<256xf32>
    %reduce_sum3A_429 = vector.multi_reduction <add>, %mul3A_427, %reduce_sum3A_428 [1] : vector<256x8xf32> to vector<256xf32>
    %broadcast_in_dim3A_430 = vector.shape_cast %reduce_sum3A_429 : vector<256xf32> to vector<256x1xf32>
    %add3A_431 = arith.addf %broadcast_in_dim3A_224, %broadcast_in_dim3A_430 : vector<256x1xf32>
    %convert_element_type3A_432 = arith.fptosi %add3A_431 : vector<256x1xf32> to vector<256x1xi32>
    %reshape3A_433 = vector.shape_cast %convert_element_type3A_432 : vector<256x1xi32> to vector<2x128xi32>
    %swap3A_434 = arith.constant 28 : index
    %swap3A_435 = arith.constant 0 : index
    %swap3A_436 = vector.load %arg3[%swap3A_434, %swap3A_435] : memref<32x128xi32, #tpu.memory_space<vmem>>, vector<2x128xi32>
    tpu.vector_store %arg3[%swap3A_434, %swap3A_435], %reshape3A_433 {strides = array<i32>} : memref<32x128xi32, #tpu.memory_space<vmem>>, vector<2x128xi32>,
    %slice3A_437 = vector.extract_strided_slice %convert_element_type3A_30 {offsets = [1792, 0], sizes = [256, 8], strides = [1, 1]} : vector<2048x8xf32> to vector<256x8xf32>
    %mul3A_438 = vector.broadcast %mul3A_257 : vector<1x8xf32> to vector<256x8xf32>
    %mul3A_439 = arith.mulf %slice3A_437, %mul3A_438 : vector<256x8xf32>
    %reduce_sum3A_440 = arith.constant dense<0.000000e+00> : vector<256xf32>
    %reduce_sum3A_441 = vector.multi_reduction <add>, %mul3A_439, %reduce_sum3A_440 [1] : vector<256x8xf32> to vector<256xf32>
    %broadcast_in_dim3A_442 = vector.shape_cast %reduce_sum3A_441 : vector<256xf32> to vector<256x1xf32>
    %add3A_443 = arith.addf %broadcast_in_dim3A_237, %broadcast_in_dim3A_442 : vector<256x1xf32>
    %convert_element_type3A_444 = arith.fptosi %add3A_443 : vector<256x1xf32> to vector<256x1xi32>
    %reshape3A_445 = vector.shape_cast %convert_element_type3A_444 : vector<256x1xi32> to vector<2x128xi32>
    %swap3A_446 = arith.constant 30 : index
    %swap3A_447 = arith.constant 0 : index
    %swap3A_448 = vector.load %arg3[%swap3A_446, %swap3A_447] : memref<32x128xi32, #tpu.memory_space<vmem>>, vector<2x128xi32>
    tpu.vector_store %arg3[%swap3A_446, %swap3A_447], %reshape3A_445 {strides = array<i32>} : memref<32x128xi32, #tpu.memory_space<vmem>>, vector<2x128xi32>,
    %iota3A_449 = tpu.iota {dimensions = array<i32: 0>} : vector<24x8xi32>
    %convert_element_type3A_450 = arith.fptosi %dot_general3A_254 : vector<1x8xf32> to vector<1x8xi32>
    %le3A = vector.broadcast %convert_element_type3A_450 : vector<1x8xi32> to vector<24x8xi32>
    %le3A_451 = arith.cmpi sle, %le3A, %iota3A_449 : vector<24x8xi32>
    %convert_element_type3A_452 = arith.extui %le3A_451 : vector<24x8xi1> to vector<24x8xi32>
    %reduce_sum3A_453 = arith.constant dense<0> : vector<24xi32>
    %reduce_sum3A_454 = vector.multi_reduction <add>, %convert_element_type3A_452, %reduce_sum3A_453 [1] : vector<24x8xi32> to vector<24xi32>
    %broadcast_in_dim3A_455 = vector.shape_cast %reduce_sum3A_454 : vector<24xi32> to vector<24x1xi32>
    %sub3A_456 = arith.constant 1 : i32
    %sub3A_457 = vector.broadcast %sub3A_456 : i32 to vector<24x1xi32>
    %sub3A_458 = arith.subi %broadcast_in_dim3A_455, %sub3A_457 : vector<24x1xi32>
    %reduce_sum3A_459 = arith.constant dense<0> : vector<1xi32>
    %reduce_sum3A_460 = vector.multi_reduction <add>, %shift_right_logical3A_247, %reduce_sum3A_459 [1] : vector<1x8xi32> to vector<1xi32>
    %broadcast_in_dim3A_461 = vector.shape_cast %reduce_sum3A_460 : vector<1xi32> to vector<1x1xi32>
    %iota3A_462 = tpu.iota {dimensions = array<i32: 0>} : vector<24x1xi32>
    %eq3A_463 = arith.constant 23 : i32
    %eq3A_464 = vector.broadcast %eq3A_463 : i32 to vector<24x1xi32>
    %eq3A_465 = arith.cmpi eq, %iota3A_462, %eq3A_464 : vector<24x1xi32>
    %broadcast_in_dim3A_466 = vector.shape_cast %broadcast_in_dim3A_461 : vector<1x1xi32> to vector<1x1xi32>
    %broadcast_in_dim3A_467 = vector.broadcast %broadcast_in_dim3A_466 : vector<1x1xi32> to vector<24x1xi32>
    %select_n3A_468 = arith.select %eq3A_465, %broadcast_in_dim3A_467, %sub3A_458 : vector<24x1xi1>, vector<24x1xi32>
    %swap3A_469 = arith.constant 0 : index
    %swap3A_470 = arith.constant 0 : index
    %swap3A_471 = vector.load %arg5[%swap3A_469, %swap3A_470] : memref<24x1xi32, #tpu.memory_space<vmem>>, vector<24x1xi32>
    tpu.vector_store %arg5[%swap3A_469, %swap3A_470], %select_n3A_468 {strides = array<i32>} : memref<24x1xi32, #tpu.memory_space<vmem>>, vector<24x1xi32>,
    return
  }
  func.func @transform_0(%arg0: i32) -> (i32, i32) {
    %c0_i32 = arith.constant 0 : i32
    %c0_i32_0 = arith.constant 0 : i32
    %c0_i32_1 = arith.constant 0 : i32
    return %c0_i32, %c0_i32_0 : i32, i32
  }
  func.func @transform_1(%arg0: i32) -> (i32, i32) {
    %c0_i32 = arith.constant 0 : i32
    %c0_i32_0 = arith.constant 0 : i32
    %c0_i32_1 = arith.constant 0 : i32
    return %c0_i32, %c0_i32_0 : i32, i32
  }
  func.func @transform_2(%arg0: i32) -> (i32, i32) {
    %c0_i32 = arith.constant 0 : i32
    %c0_i32_0 = arith.constant 0 : i32
    %c0_i32_1 = arith.constant 0 : i32
    return %c0_i32, %c0_i32_0 : i32, i32
  }
  func.func @transform_3(%arg0: i32) -> (i32, i32) {
    %c0_i32 = arith.constant 0 : i32
    %c0_i32_0 = arith.constant 0 : i32
    %c0_i32_1 = arith.constant 0 : i32
    return %c0_i32, %c0_i32_0 : i32, i32
  }
  func.func @transform_4(%arg0: i32) -> (i32, i32) {
    %c0_i32 = arith.constant 0 : i32
    %c0_i32_0 = arith.constant 0 : i32
    %c0_i32_1 = arith.constant 0 : i32
    return %c0_i32, %c0_i32_0 : i32, i32
  }
}

module attributes {stable_mosaic.version = 14 : i64} {
  func.func @_cast_kernel(%arg0: i32, %arg1: memref<1x512x1024xf32, #tpu.memory_space<vmem>>, %arg2: memref<1x512x1024xf32, #tpu.memory_space<vmem>>, %arg3: memref<1x1024x512xf32, #tpu.memory_space<vmem>>, %arg4: memref<1x512x1024xbf16, #tpu.memory_space<vmem>>, %arg5: memref<1x512x1024xbf16, #tpu.memory_space<vmem>>, %arg6: memref<1x1024x512xbf16, #tpu.memory_space<vmem>>) attributes {dimension_semantics = [#tpu.dimension_semantics<arbitrary>], iteration_bounds = array<i64: 8>, scalar_prefetch = 0 : i64, scratch_operands = 0 : i64, tpu.core_type = #tpu.core_type<tc>, window_params = [{transform_indices = @transform_0, window_bounds = array<i64: 1, 512, 1024>}, {transform_indices = @transform_1, window_bounds = array<i64: 1, 512, 1024>}, {transform_indices = @transform_2, window_bounds = array<i64: 1, 1024, 512>}, {transform_indices = @transform_3, window_bounds = array<i64: 1, 512, 1024>}, {transform_indices = @transform_4, window_bounds = array<i64: 1, 512, 1024>}, {transform_indices = @transform_5, window_bounds = array<i64: 1, 1024, 512>}]} {
    %get3A = arith.constant 0 : index
    %get3A_0 = arith.constant 0 : index
    %get3A_1 = arith.constant 0 : index
    %get3A_2 = vector.load %arg1[%get3A, %get3A_0, %get3A_1] : memref<1x512x1024xf32, #tpu.memory_space<vmem>>, vector<1x512x1024xf32>
    %convert_element_type3A = arith.truncf %get3A_2 : vector<1x512x1024xf32> to vector<1x512x1024xbf16>
    %swap3A = arith.constant 0 : index
    %swap3A_3 = arith.constant 0 : index
    %swap3A_4 = arith.constant 0 : index
    %swap3A_5 = vector.load %arg4[%swap3A, %swap3A_3, %swap3A_4] : memref<1x512x1024xbf16, #tpu.memory_space<vmem>>, vector<1x512x1024xbf16>
    tpu.vector_store %arg4[%swap3A, %swap3A_3, %swap3A_4], %convert_element_type3A {strides = array<i32>} : memref<1x512x1024xbf16, #tpu.memory_space<vmem>>, vector<1x512x1024xbf16>,
    %get3A_6 = arith.constant 0 : index
    %get3A_7 = arith.constant 0 : index
    %get3A_8 = arith.constant 0 : index
    %get3A_9 = vector.load %arg2[%get3A_6, %get3A_7, %get3A_8] : memref<1x512x1024xf32, #tpu.memory_space<vmem>>, vector<1x512x1024xf32>
    %convert_element_type3A_10 = arith.truncf %get3A_9 : vector<1x512x1024xf32> to vector<1x512x1024xbf16>
    %swap3A_11 = arith.constant 0 : index
    %swap3A_12 = arith.constant 0 : index
    %swap3A_13 = arith.constant 0 : index
    %swap3A_14 = vector.load %arg5[%swap3A_11, %swap3A_12, %swap3A_13] : memref<1x512x1024xbf16, #tpu.memory_space<vmem>>, vector<1x512x1024xbf16>
    tpu.vector_store %arg5[%swap3A_11, %swap3A_12, %swap3A_13], %convert_element_type3A_10 {strides = array<i32>} : memref<1x512x1024xbf16, #tpu.memory_space<vmem>>, vector<1x512x1024xbf16>,
    %get3A_15 = arith.constant 0 : index
    %get3A_16 = arith.constant 0 : index
    %get3A_17 = arith.constant 0 : index
    %get3A_18 = vector.load %arg3[%get3A_15, %get3A_16, %get3A_17] : memref<1x1024x512xf32, #tpu.memory_space<vmem>>, vector<1x1024x512xf32>
    %convert_element_type3A_19 = arith.truncf %get3A_18 : vector<1x1024x512xf32> to vector<1x1024x512xbf16>
    %swap3A_20 = arith.constant 0 : index
    %swap3A_21 = arith.constant 0 : index
    %swap3A_22 = arith.constant 0 : index
    %swap3A_23 = vector.load %arg6[%swap3A_20, %swap3A_21, %swap3A_22] : memref<1x1024x512xbf16, #tpu.memory_space<vmem>>, vector<1x1024x512xbf16>
    tpu.vector_store %arg6[%swap3A_20, %swap3A_21, %swap3A_22], %convert_element_type3A_19 {strides = array<i32>} : memref<1x1024x512xbf16, #tpu.memory_space<vmem>>, vector<1x1024x512xbf16>,
    return
  }
  func.func @transform_0(%arg0: i32) -> (i32, i32, i32) {
    %c0_i32 = arith.constant 0 : i32
    %c0_i32_0 = arith.constant 0 : i32
    %c0_i32_1 = arith.constant 0 : i32
    return %arg0, %c0_i32, %c0_i32_0 : i32, i32, i32
  }
  func.func @transform_1(%arg0: i32) -> (i32, i32, i32) {
    %c0_i32 = arith.constant 0 : i32
    %c0_i32_0 = arith.constant 0 : i32
    %c0_i32_1 = arith.constant 0 : i32
    return %arg0, %c0_i32, %c0_i32_0 : i32, i32, i32
  }
  func.func @transform_2(%arg0: i32) -> (i32, i32, i32) {
    %c0_i32 = arith.constant 0 : i32
    %c0_i32_0 = arith.constant 0 : i32
    %c0_i32_1 = arith.constant 0 : i32
    return %arg0, %c0_i32, %c0_i32_0 : i32, i32, i32
  }
  func.func @transform_3(%arg0: i32) -> (i32, i32, i32) {
    %c0_i32 = arith.constant 0 : i32
    %c0_i32_0 = arith.constant 0 : i32
    %c0_i32_1 = arith.constant 0 : i32
    return %arg0, %c0_i32, %c0_i32_0 : i32, i32, i32
  }
  func.func @transform_4(%arg0: i32) -> (i32, i32, i32) {
    %c0_i32 = arith.constant 0 : i32
    %c0_i32_0 = arith.constant 0 : i32
    %c0_i32_1 = arith.constant 0 : i32
    return %arg0, %c0_i32, %c0_i32_0 : i32, i32, i32
  }
  func.func @transform_5(%arg0: i32) -> (i32, i32, i32) {
    %c0_i32 = arith.constant 0 : i32
    %c0_i32_0 = arith.constant 0 : i32
    %c0_i32_1 = arith.constant 0 : i32
    return %arg0, %c0_i32, %c0_i32_0 : i32, i32, i32
  }
}

module attributes {stable_mosaic.version = 14 : i64} {
  func.func @_group_mm_kernel(%arg0: i32, %arg1: memref<24xi32, #tpu.memory_space<smem>>, %arg2: memref<512x1024xf32, #tpu.memory_space<vmem>>, %arg3: memref<1x512x1024xbf16, #tpu.memory_space<vmem>>, %arg4: memref<1x512x1024xbf16, #tpu.memory_space<vmem>>, %arg5: memref<1x1024x512xbf16, #tpu.memory_space<vmem>>, %arg6: memref<512x1024xf32, #tpu.memory_space<vmem>>) attributes {dimension_semantics = [#tpu.dimension_semantics<arbitrary>], iteration_bounds = array<i64: 16>, scalar_prefetch = 1 : i64, scratch_operands = 0 : i64, tpu.core_type = #tpu.core_type<tc>, window_params = [{transform_indices = @transform_0, window_bounds = array<i64: 512, 1024>}, {transform_indices = @transform_1, window_bounds = array<i64: 1, 512, 1024>}, {transform_indices = @transform_2, window_bounds = array<i64: 1, 512, 1024>}, {transform_indices = @transform_3, window_bounds = array<i64: 1, 1024, 512>}, {transform_indices = @transform_4, window_bounds = array<i64: 512, 1024>}]} {
    %get3A = arith.constant 23 : index
    %get3A_0 = memref.load %arg1[%get3A] : memref<24xi32, #tpu.memory_space<smem>>
    %lt3A = arith.cmpi slt, %arg0, %get3A_0 : i32
    %convert_element_type3A = arith.extui %lt3A : i1 to i32
    %cond3A = arith.constant 0 : i32
    %cond3A_1 = arith.cmpi ne, %convert_element_type3A, %cond3A : i32
    scf.if %cond3A_1 {
      %get3A_2 = arith.constant 0 : index
      %get3A_3 = arith.constant 0 : index
      %get3A_4 = vector.load %arg2[%get3A_2, %get3A_3] : memref<512x1024xf32, #tpu.memory_space<vmem>>, vector<512x1024xf32>
      %convert_element_type3A_5 = arith.truncf %get3A_4 : vector<512x1024xf32> to vector<512x1024xbf16>
      %get3A_6 = arith.constant 0 : index
      %get3A_7 = arith.constant 0 : index
      %get3A_8 = arith.constant 0 : index
      %get3A_9 = vector.load %arg3[%get3A_6, %get3A_7, %get3A_8] : memref<1x512x1024xbf16, #tpu.memory_space<vmem>>, vector<1x512x1024xbf16>
      %get3A_10 = vector.shape_cast %get3A_9 : vector<1x512x1024xbf16> to vector<512x1024xbf16>
      %dot_general3A = arith.constant dense<0.000000e+00> : vector<512x512xf32>
      %dot_general3A_11 = tpu.matmul %convert_element_type3A_5, %get3A_10, %dot_general3A {dimension_numbers = #tpu.dot_dimension_numbers<[1], [1], [0], [0], [0, 0, 1, 0], [], []>, transpose_lhs_hint = false} : vector<512x1024xbf16>, vector<512x1024xbf16>, vector<512x512xf32> -> vector<512x512xf32>
      %get3A_12 = arith.constant 0 : index
      %get3A_13 = arith.constant 0 : index
      %get3A_14 = arith.constant 0 : index
      %get3A_15 = vector.load %arg4[%get3A_12, %get3A_13, %get3A_14] : memref<1x512x1024xbf16, #tpu.memory_space<vmem>>, vector<1x512x1024xbf16>
      %get3A_16 = vector.shape_cast %get3A_15 : vector<1x512x1024xbf16> to vector<512x1024xbf16>
      %dot_general3A_17 = arith.constant dense<0.000000e+00> : vector<512x512xf32>
      %dot_general3A_18 = tpu.matmul %convert_element_type3A_5, %get3A_16, %dot_general3A_17 {dimension_numbers = #tpu.dot_dimension_numbers<[1], [1], [0], [0], [0, 0, 1, 0], [], []>, transpose_lhs_hint = false} : vector<512x1024xbf16>, vector<512x1024xbf16>, vector<512x512xf32> -> vector<512x512xf32>
      %logistic3A = arith.negf %dot_general3A_11 : vector<512x512xf32>
      %logistic3A_19 = math.exp %logistic3A : vector<512x512xf32>
      %logistic3A_20 = arith.constant 1.000000e+00 : f32
      %logistic3A_21 = vector.broadcast %logistic3A_20 : f32 to vector<512x512xf32>
      %logistic3A_22 = arith.addf %logistic3A_21, %logistic3A_19 : vector<512x512xf32>
      %logistic3A_23 = arith.divf %logistic3A_21, %logistic3A_22 : vector<512x512xf32>
      %mul3A = arith.mulf %logistic3A_23, %dot_general3A_18 : vector<512x512xf32>
      %convert_element_type3A_24 = arith.truncf %mul3A : vector<512x512xf32> to vector<512x512xbf16>
      %get3A_25 = arith.constant 0 : index
      %get3A_26 = arith.constant 0 : index
      %get3A_27 = arith.constant 0 : index
      %get3A_28 = vector.load %arg5[%get3A_25, %get3A_26, %get3A_27] : memref<1x1024x512xbf16, #tpu.memory_space<vmem>>, vector<1x1024x512xbf16>
      %get3A_29 = vector.shape_cast %get3A_28 : vector<1x1024x512xbf16> to vector<1024x512xbf16>
      %dot_general3A_30 = arith.constant dense<0.000000e+00> : vector<512x1024xf32>
      %dot_general3A_31 = tpu.matmul %convert_element_type3A_24, %get3A_29, %dot_general3A_30 {dimension_numbers = #tpu.dot_dimension_numbers<[1], [1], [0], [0], [0, 0, 1, 0], [], []>, transpose_lhs_hint = false} : vector<512x512xbf16>, vector<1024x512xbf16>, vector<512x1024xf32> -> vector<512x1024xf32>
      %convert_element_type3A_32 = arith.truncf %dot_general3A_31 : vector<512x1024xf32> to vector<512x1024xbf16>
      %convert_element_type3A_33 = arith.extf %convert_element_type3A_32 : vector<512x1024xbf16> to vector<512x1024xf32>
      %swap3A = arith.constant 0 : index
      %swap3A_34 = arith.constant 0 : index
      %swap3A_35 = vector.load %arg6[%swap3A, %swap3A_34] : memref<512x1024xf32, #tpu.memory_space<vmem>>, vector<512x1024xf32>
      tpu.vector_store %arg6[%swap3A, %swap3A_34], %convert_element_type3A_33 {strides = array<i32>} : memref<512x1024xf32, #tpu.memory_space<vmem>>, vector<512x1024xf32>,
    } else {
    }
    return
  }
  func.func @transform_0(%arg0: i32, %arg1: memref<24xi32, #tpu.memory_space<smem>>) -> (i32, i32) {
    %get3A = arith.constant 23 : index
    %get3A_0 = memref.load %arg1[%get3A] : memref<24xi32, #tpu.memory_space<smem>>
    %sub3A = arith.constant 1 : i32
    %sub3A_1 = arith.subi %get3A_0, %sub3A : i32
    %max3A = arith.constant 0 : i32
    %max3A_2 = arith.maxsi %sub3A_1, %max3A : i32
    %min3A = arith.minsi %arg0, %max3A_2 : i32
    %c0_i32 = arith.constant 0 : i32
    %c0_i32_3 = arith.constant 0 : i32
    return %min3A, %c0_i32 : i32, i32
  }
  func.func @transform_1(%arg0: i32, %arg1: memref<24xi32, #tpu.memory_space<smem>>) -> (i32, i32, i32) {
    %get3A = arith.constant 23 : index
    %get3A_0 = memref.load %arg1[%get3A] : memref<24xi32, #tpu.memory_space<smem>>
    %sub3A = arith.constant 1 : i32
    %sub3A_1 = arith.subi %get3A_0, %sub3A : i32
    %max3A = arith.constant 0 : i32
    %max3A_2 = arith.maxsi %sub3A_1, %max3A : i32
    %min3A = arith.minsi %arg0, %max3A_2 : i32
    %get3A_3 = arith.index_cast %min3A : i32 to index
    %get3A_4 = memref.load %arg1[%get3A_3] : memref<24xi32, #tpu.memory_space<smem>>
    %c0_i32 = arith.constant 0 : i32
    %c0_i32_5 = arith.constant 0 : i32
    %c0_i32_6 = arith.constant 0 : i32
    return %get3A_4, %c0_i32, %c0_i32_5 : i32, i32, i32
  }
  func.func @transform_2(%arg0: i32, %arg1: memref<24xi32, #tpu.memory_space<smem>>) -> (i32, i32, i32) {
    %get3A = arith.constant 23 : index
    %get3A_0 = memref.load %arg1[%get3A] : memref<24xi32, #tpu.memory_space<smem>>
    %sub3A = arith.constant 1 : i32
    %sub3A_1 = arith.subi %get3A_0, %sub3A : i32
    %max3A = arith.constant 0 : i32
    %max3A_2 = arith.maxsi %sub3A_1, %max3A : i32
    %min3A = arith.minsi %arg0, %max3A_2 : i32
    %get3A_3 = arith.index_cast %min3A : i32 to index
    %get3A_4 = memref.load %arg1[%get3A_3] : memref<24xi32, #tpu.memory_space<smem>>
    %c0_i32 = arith.constant 0 : i32
    %c0_i32_5 = arith.constant 0 : i32
    %c0_i32_6 = arith.constant 0 : i32
    return %get3A_4, %c0_i32, %c0_i32_5 : i32, i32, i32
  }
  func.func @transform_3(%arg0: i32, %arg1: memref<24xi32, #tpu.memory_space<smem>>) -> (i32, i32, i32) {
    %get3A = arith.constant 23 : index
    %get3A_0 = memref.load %arg1[%get3A] : memref<24xi32, #tpu.memory_space<smem>>
    %sub3A = arith.constant 1 : i32
    %sub3A_1 = arith.subi %get3A_0, %sub3A : i32
    %max3A = arith.constant 0 : i32
    %max3A_2 = arith.maxsi %sub3A_1, %max3A : i32
    %min3A = arith.minsi %arg0, %max3A_2 : i32
    %get3A_3 = arith.index_cast %min3A : i32 to index
    %get3A_4 = memref.load %arg1[%get3A_3] : memref<24xi32, #tpu.memory_space<smem>>
    %c0_i32 = arith.constant 0 : i32
    %c0_i32_5 = arith.constant 0 : i32
    %c0_i32_6 = arith.constant 0 : i32
    return %get3A_4, %c0_i32, %c0_i32_5 : i32, i32, i32
  }
  func.func @transform_4(%arg0: i32, %arg1: memref<24xi32, #tpu.memory_space<smem>>) -> (i32, i32) {
    %get3A = arith.constant 23 : index
    %get3A_0 = memref.load %arg1[%get3A] : memref<24xi32, #tpu.memory_space<smem>>
    %sub3A = arith.constant 1 : i32
    %sub3A_1 = arith.subi %get3A_0, %sub3A : i32
    %max3A = arith.constant 0 : i32
    %max3A_2 = arith.maxsi %sub3A_1, %max3A : i32
    %min3A = arith.minsi %arg0, %max3A_2 : i32
    %c0_i32 = arith.constant 0 : i32
    %c0_i32_3 = arith.constant 0 : i32
    return %min3A, %c0_i32 : i32, i32
  }
}

module attributes {stable_mosaic.version = 14 : i64} {
  func.func @_shared_kernel(%arg0: i32, %arg1: memref<512x1024xf32, #tpu.memory_space<vmem>>, %arg2: memref<1x512x1024xbf16, #tpu.memory_space<vmem>>, %arg3: memref<1x512x1024xbf16, #tpu.memory_space<vmem>>, %arg4: memref<1x1024x512xbf16, #tpu.memory_space<vmem>>, %arg5: memref<512x1024xf32, #tpu.memory_space<vmem>>) attributes {dimension_semantics = [#tpu.dimension_semantics<arbitrary>], iteration_bounds = array<i64: 4>, scalar_prefetch = 0 : i64, scratch_operands = 0 : i64, tpu.core_type = #tpu.core_type<tc>, window_params = [{transform_indices = @transform_0, window_bounds = array<i64: 512, 1024>}, {pipeline_mode = #tpu.pipeline_mode<synchronous>, transform_indices = @transform_1, window_bounds = array<i64: 1, 512, 1024>}, {pipeline_mode = #tpu.pipeline_mode<synchronous>, transform_indices = @transform_2, window_bounds = array<i64: 1, 512, 1024>}, {pipeline_mode = #tpu.pipeline_mode<synchronous>, transform_indices = @transform_3, window_bounds = array<i64: 1, 1024, 512>}, {transform_indices = @transform_4, window_bounds = array<i64: 512, 1024>}]} {
    %get3A = arith.constant 0 : index
    %get3A_0 = arith.constant 0 : index
    %get3A_1 = vector.load %arg1[%get3A, %get3A_0] : memref<512x1024xf32, #tpu.memory_space<vmem>>, vector<512x1024xf32>
    %convert_element_type3A = arith.truncf %get3A_1 : vector<512x1024xf32> to vector<512x1024xbf16>
    %get3A_2 = arith.constant 0 : index
    %get3A_3 = arith.constant 0 : index
    %get3A_4 = arith.constant 0 : index
    %get3A_5 = vector.load %arg2[%get3A_2, %get3A_3, %get3A_4] : memref<1x512x1024xbf16, #tpu.memory_space<vmem>>, vector<1x512x1024xbf16>
    %get3A_6 = vector.shape_cast %get3A_5 : vector<1x512x1024xbf16> to vector<512x1024xbf16>
    %dot_general3A = arith.constant dense<0.000000e+00> : vector<512x512xf32>
    %dot_general3A_7 = tpu.matmul %convert_element_type3A, %get3A_6, %dot_general3A {dimension_numbers = #tpu.dot_dimension_numbers<[1], [1], [0], [0], [0, 0, 1, 0], [], []>, transpose_lhs_hint = false} : vector<512x1024xbf16>, vector<512x1024xbf16>, vector<512x512xf32> -> vector<512x512xf32>
    %get3A_8 = arith.constant 0 : index
    %get3A_9 = arith.constant 0 : index
    %get3A_10 = arith.constant 0 : index
    %get3A_11 = vector.load %arg3[%get3A_8, %get3A_9, %get3A_10] : memref<1x512x1024xbf16, #tpu.memory_space<vmem>>, vector<1x512x1024xbf16>
    %get3A_12 = vector.shape_cast %get3A_11 : vector<1x512x1024xbf16> to vector<512x1024xbf16>
    %dot_general3A_13 = arith.constant dense<0.000000e+00> : vector<512x512xf32>
    %dot_general3A_14 = tpu.matmul %convert_element_type3A, %get3A_12, %dot_general3A_13 {dimension_numbers = #tpu.dot_dimension_numbers<[1], [1], [0], [0], [0, 0, 1, 0], [], []>, transpose_lhs_hint = false} : vector<512x1024xbf16>, vector<512x1024xbf16>, vector<512x512xf32> -> vector<512x512xf32>
    %logistic3A = arith.negf %dot_general3A_7 : vector<512x512xf32>
    %logistic3A_15 = math.exp %logistic3A : vector<512x512xf32>
    %logistic3A_16 = arith.constant 1.000000e+00 : f32
    %logistic3A_17 = vector.broadcast %logistic3A_16 : f32 to vector<512x512xf32>
    %logistic3A_18 = arith.addf %logistic3A_17, %logistic3A_15 : vector<512x512xf32>
    %logistic3A_19 = arith.divf %logistic3A_17, %logistic3A_18 : vector<512x512xf32>
    %mul3A = arith.mulf %logistic3A_19, %dot_general3A_14 : vector<512x512xf32>
    %convert_element_type3A_20 = arith.truncf %mul3A : vector<512x512xf32> to vector<512x512xbf16>
    %get3A_21 = arith.constant 0 : index
    %get3A_22 = arith.constant 0 : index
    %get3A_23 = arith.constant 0 : index
    %get3A_24 = vector.load %arg4[%get3A_21, %get3A_22, %get3A_23] : memref<1x1024x512xbf16, #tpu.memory_space<vmem>>, vector<1x1024x512xbf16>
    %get3A_25 = vector.shape_cast %get3A_24 : vector<1x1024x512xbf16> to vector<1024x512xbf16>
    %dot_general3A_26 = arith.constant dense<0.000000e+00> : vector<512x1024xf32>
    %dot_general3A_27 = tpu.matmul %convert_element_type3A_20, %get3A_25, %dot_general3A_26 {dimension_numbers = #tpu.dot_dimension_numbers<[1], [1], [0], [0], [0, 0, 1, 0], [], []>, transpose_lhs_hint = false} : vector<512x512xbf16>, vector<1024x512xbf16>, vector<512x1024xf32> -> vector<512x1024xf32>
    %add3A = arith.addf %get3A_1, %dot_general3A_27 : vector<512x1024xf32>
    %swap3A = arith.constant 0 : index
    %swap3A_28 = arith.constant 0 : index
    %swap3A_29 = vector.load %arg5[%swap3A, %swap3A_28] : memref<512x1024xf32, #tpu.memory_space<vmem>>, vector<512x1024xf32>
    tpu.vector_store %arg5[%swap3A, %swap3A_28], %add3A {strides = array<i32>} : memref<512x1024xf32, #tpu.memory_space<vmem>>, vector<512x1024xf32>,
    return
  }
  func.func @transform_0(%arg0: i32) -> (i32, i32) {
    %c0_i32 = arith.constant 0 : i32
    %c0_i32_0 = arith.constant 0 : i32
    return %arg0, %c0_i32 : i32, i32
  }
  func.func @transform_1(%arg0: i32) -> (i32, i32, i32) {
    %c0_i32 = arith.constant 0 : i32
    %c0_i32_0 = arith.constant 0 : i32
    %c0_i32_1 = arith.constant 0 : i32
    %c0_i32_2 = arith.constant 0 : i32
    return %c0_i32, %c0_i32_0, %c0_i32_1 : i32, i32, i32
  }
  func.func @transform_2(%arg0: i32) -> (i32, i32, i32) {
    %c0_i32 = arith.constant 0 : i32
    %c0_i32_0 = arith.constant 0 : i32
    %c0_i32_1 = arith.constant 0 : i32
    %c0_i32_2 = arith.constant 0 : i32
    return %c0_i32, %c0_i32_0, %c0_i32_1 : i32, i32, i32
  }
  func.func @transform_3(%arg0: i32) -> (i32, i32, i32) {
    %c0_i32 = arith.constant 0 : i32
    %c0_i32_0 = arith.constant 0 : i32
    %c0_i32_1 = arith.constant 0 : i32
    %c0_i32_2 = arith.constant 0 : i32
    return %c0_i32, %c0_i32_0, %c0_i32_1 : i32, i32, i32
  }
  func.func @transform_4(%arg0: i32) -> (i32, i32) {
    %c0_i32 = arith.constant 0 : i32
    %c0_i32_0 = arith.constant 0 : i32
    return %arg0, %c0_i32 : i32, i32
  }
}

module attributes {stable_mosaic.version = 14 : i64} {
  func.func @_combine_kernel(%arg0: i32, %arg1: memref<512x1024xf32, #tpu.memory_space<vmem>>, %arg2: memref<512x1024xf32, #tpu.memory_space<vmem>>, %arg3: memref<512x1024xf32, #tpu.memory_space<vmem>>, %arg4: memref<512x2xf32, #tpu.memory_space<vmem>>, %arg5: memref<512x1024xf32, #tpu.memory_space<vmem>>) attributes {dimension_semantics = [#tpu.dimension_semantics<arbitrary>], iteration_bounds = array<i64: 4>, scalar_prefetch = 0 : i64, scratch_operands = 0 : i64, tpu.core_type = #tpu.core_type<tc>, window_params = [{transform_indices = @transform_0, window_bounds = array<i64: 512, 1024>}, {transform_indices = @transform_1, window_bounds = array<i64: 512, 1024>}, {transform_indices = @transform_2, window_bounds = array<i64: 512, 1024>}, {transform_indices = @transform_3, window_bounds = array<i64: 512, 2>}, {transform_indices = @transform_4, window_bounds = array<i64: 512, 1024>}]} {
    %get3A = arith.constant 0 : index
    %get3A_0 = arith.constant 0 : index
    %get3A_1 = vector.load %arg4[%get3A, %get3A_0] : memref<512x2xf32, #tpu.memory_space<vmem>>, vector<512x2xf32>
    %convert_element_type3A = arith.truncf %get3A_1 : vector<512x2xf32> to vector<512x2xbf16>
    %slice3A = vector.extract_strided_slice %convert_element_type3A {offsets = [0, 0], sizes = [512, 1], strides = [1, 1]} : vector<512x2xbf16> to vector<512x1xbf16>
    %get3A_2 = arith.constant 0 : index
    %get3A_3 = arith.constant 0 : index
    %get3A_4 = vector.load %arg2[%get3A_2, %get3A_3] : memref<512x1024xf32, #tpu.memory_space<vmem>>, vector<512x1024xf32>
    %convert_element_type3A_5 = arith.truncf %get3A_4 : vector<512x1024xf32> to vector<512x1024xbf16>
    %mul3A = vector.broadcast %slice3A : vector<512x1xbf16> to vector<512x1024xbf16>
    %mul3A_6 = arith.mulf %mul3A, %convert_element_type3A_5 : vector<512x1024xbf16>
    %convert_element_type3A_7 = arith.extf %mul3A_6 : vector<512x1024xbf16> to vector<512x1024xf32>
    %slice3A_8 = vector.extract_strided_slice %convert_element_type3A {offsets = [0, 1], sizes = [512, 1], strides = [1, 1]} : vector<512x2xbf16> to vector<512x1xbf16>
    %get3A_9 = arith.constant 0 : index
    %get3A_10 = arith.constant 0 : index
    %get3A_11 = vector.load %arg3[%get3A_9, %get3A_10] : memref<512x1024xf32, #tpu.memory_space<vmem>>, vector<512x1024xf32>
    %convert_element_type3A_12 = arith.truncf %get3A_11 : vector<512x1024xf32> to vector<512x1024xbf16>
    %mul3A_13 = vector.broadcast %slice3A_8 : vector<512x1xbf16> to vector<512x1024xbf16>
    %mul3A_14 = arith.mulf %mul3A_13, %convert_element_type3A_12 : vector<512x1024xbf16>
    %convert_element_type3A_15 = arith.extf %mul3A_14 : vector<512x1024xbf16> to vector<512x1024xf32>
    %get3A_16 = arith.constant 0 : index
    %get3A_17 = arith.constant 0 : index
    %get3A_18 = vector.load %arg1[%get3A_16, %get3A_17] : memref<512x1024xf32, #tpu.memory_space<vmem>>, vector<512x1024xf32>
    %add3A = arith.addf %get3A_18, %convert_element_type3A_7 : vector<512x1024xf32>
    %add3A_19 = arith.addf %add3A, %convert_element_type3A_15 : vector<512x1024xf32>
    %swap3A = arith.constant 0 : index
    %swap3A_20 = arith.constant 0 : index
    %swap3A_21 = vector.load %arg5[%swap3A, %swap3A_20] : memref<512x1024xf32, #tpu.memory_space<vmem>>, vector<512x1024xf32>
    tpu.vector_store %arg5[%swap3A, %swap3A_20], %add3A_19 {strides = array<i32>} : memref<512x1024xf32, #tpu.memory_space<vmem>>, vector<512x1024xf32>,
    return
  }
  func.func @transform_0(%arg0: i32) -> (i32, i32) {
    %c0_i32 = arith.constant 0 : i32
    %c0_i32_0 = arith.constant 0 : i32
    return %arg0, %c0_i32 : i32, i32
  }
  func.func @transform_1(%arg0: i32) -> (i32, i32) {
    %c0_i32 = arith.constant 0 : i32
    %c0_i32_0 = arith.constant 0 : i32
    return %arg0, %c0_i32 : i32, i32
  }
  func.func @transform_2(%arg0: i32) -> (i32, i32) {
    %add3A = arith.constant 4 : i32
    %add3A_0 = arith.addi %arg0, %add3A : i32
    %c0_i32 = arith.constant 0 : i32
    %c0_i32_1 = arith.constant 0 : i32
    return %add3A_0, %c0_i32 : i32, i32
  }
  func.func @transform_3(%arg0: i32) -> (i32, i32) {
    %c0_i32 = arith.constant 0 : i32
    %c0_i32_0 = arith.constant 0 : i32
    return %arg0, %c0_i32 : i32, i32
  }
  func.func @transform_4(%arg0: i32) -> (i32, i32) {
    %c0_i32 = arith.constant 0 : i32
    %c0_i32_0 = arith.constant 0 : i32
    return %arg0, %c0_i32 : i32, i32
  }
}

</mosaic_0001>

<sc_bundles>
// kernel: kernel.12.cloned.1.call-start
scs
__scs_entry_jumppad:
0x0: {  	(pc) =	sbr.rel $0x88, $3  }
0x1: {  	(tag) =	ssettag $0x0;
	lr =	simm.s32 $0x1  }
0x2: {  	[smem:$0x3F99] =	sst lr;
	_ =	strace $0xD0000000  }
0x3: {  	_ = 	snop  }
0x4: {  	_ = 	snop  }
0x5: {  	_ = 	snop  }
0x6: {  	_ = 	snop  }
0x7: {  	_ = 	snop  }
__scs_overlays_trampoline_lowered:
0x8: {  	[smem:$0x3FA8] =	sst s0  }
0x9: {  	[smem:$0x3FA9] =	sst s1  }
0xa: {  	[smem:$0x3FAA] =	sst s2  }
0xb: {  	[smem:$0x3FAB] =	sst s3  }
0xc: {  	[smem:$0x3FAC] =	sst s4  }
0xd: {  	[smem:$0x3FAD] =	sst s5  }
0xe: {  	[smem:$0x3FAE] =	sst s6  }
0xf: {  	[smem:$0x3FAF] =	sst s7  }
0x10: {  	[smem:$0x3FB0] =	sst s8  }
0x11: {  	[smem:$0x3FB1] =	sst s9;
	s0 =	simm.s32 @!p0 $0x0  }
0x12: {  	s1 =	sld [smem:$0x3F97];
	s0 =	simm.s32 @p0 $0x1  }
0x13: {  	[smem:$0x3FB2] =	sst s0;
	s0 =	simm.s32 @!p1 $0x0  }
0x14: {  	s2 =	sld [smem:$0x3F96];
	s0 =	simm.s32 @p1 $0x1  }
0x15: {  	[smem:$0x3FB3] =	sst s0;
	s0 =	simm.s32 @!p2 $0x0  }
0x16: {  	s3 =	sld [smem:$0x3FDB];
	s0 =	simm.s32 @p2 $0x1  }
0x17: {  	s4 =	simm.s32 $0x1BF5;
	[smem:$0x3FB5] =	sst s0  }
0x18: {  	s0 =	sld [smem:$0x3F98];
	_ =	swait.ge [sflag:s4], $0x0  }
0x19: {  	s7 =	sld [smem:$0x3F99]  }
0x1a: {  	s8 =	sadd.s32 $0xFFFFE003, lr  }
0x1b: {  	s9 =	sadd.s32 $0xFFFFFEF7, lr;
	s5 =	simm.s32 $0xFFFFFFFF;
	p2 =	slt.u32 s8, $0xFFFFF086  }
0x1c: {  	p1 =	slt.u32 s9, $0xF7A;
	s5 =	simm.s32 @!p2 $0x0  }
0x1d: {  	s5 =	simm.s32 @p1 $0x1;
	p0 =	seq.s32 s7, s2  }
0x1e: {  	s7 =	smul.u32 @!p0 $0xF7A, s2;
	p2 =	seq.s32 @!p0 s5, $0x0  }
0x1f: {  	s9 =	smul.u32 $0xF7A, s1;
	s8 =	simm.s32 @!p0 $0x1BF5;
	p2 =	por !p2, p0  }
0x20: {  	[sflag:s8] =	ssyncset.s32 @!p0 $0xFFFFF086;
	s6 =	sadd.s32 @!p0 s3, s7;
	s7 =	simm.s32 @!p0 $0x108  }
0x21: {  	s3 =	sadd.s32 s3, s9;
	s6 =	sadd.s32 @!p0 $0x88, s6;
	s7 =	simm.s32 @p2 $0x1082  }
0x22: {  	[simem:s7], [sflag:s8] =	dma.local @!p0 [hbm:s6], $0xF7A  }
0x23: {  	s9 =	sor.u32 $0xD0000000, s2;
	s6 =	simm.s32 $0x108;
	_ =	swait.ge @!p0 [sflag:s8], $0x0  }
0x24: {  	s3 =	sadd.s32 $0x88, s3;
	s6 =	simm.s32 @!p1 $0x1082;
	[sflag:s4] =	ssyncset.s32 $0xFFFFF086  }
0x25: {  	[simem:s6], [sflag:s4] =	dma.local [hbm:s3], $0xF7A  }
0x26: {  	[smem:$0x3F99] =	sst s1;
	(tag) =	ssettag s2;
	_ =	strace s9  }
0x27: {  	s1 =	sld [smem:$0x3FA9]  }
0x28: {  	s2 =	sld [smem:$0x3FAA]  }
0x29: {  	s4 =	sld [smem:$0x3FAC]  }
0x2a: {  	p0 =	seq.s32 s5, $0x0;
	s5 =	sld [smem:$0x3FAD]  }
0x2b: {  	s6 =	sld [smem:$0x3FAE]  }
0x2c: {  	s7 =	sld [smem:$0x3FAF]  }
0x2d: {  	s3 =	simm.s32 $0x108;
	s8 =	sld [smem:$0x3FB0]  }
0x2e: {  	s3 =	simm.s32 @!p0 $0x1082;
	s9 =	sld [smem:$0x3FB1]  }
0x2f: {  	lr =	sadd.s32 s0, s3;
	s0 =	sld [smem:$0x3FA8]  }
0x30: {  	s3 =	sld [smem:$0x3FAB]  }
0x31: {  	[smem:$0x3FB4] =	sst s10  }
0x32: {  	s10 =	sld [smem:$0x3FB2];
	_ =	sdelay $0x3  }
0x33: {  	p0 =	seq.s32 s10, $0x1;
	s10 =	sld [smem:$0x3FB4];
	_ =	sdelay $0x3  }
0x34: {  	[smem:$0x3FB4] =	sst s10  }
0x35: {  	s10 =	sld [smem:$0x3FB3];
	_ =	sdelay $0x3  }
0x36: {  	p1 =	seq.s32 s10, $0x1;
	s10 =	sld [smem:$0x3FB4];
	_ =	sdelay $0x3  }
0x37: {  	[smem:$0x3FB4] =	sst s10  }
0x38: {  	s10 =	sld [smem:$0x3FB5]  }
0x39: {  	_ = 	snop;
	(pc) =	sbr.ind lr, $3  }
0x3a: {  	_ = 	snop  }
0x3b: {  	_ = 	snop  }
0x3c: {  	p2 =	seq.s32 s10, $0x1;
	s10 =	sld [smem:$0x3FB4]  }
0x3d: {  	_ =	shalt  }
0x3e: {  	_ =	shalt  }
0x3f: {  	_ =	shalt  }
0x40: {  	_ =	shalt  }
0x41: {  	_ =	shalt  }
0x42: {  	_ =	shalt  }
0x43: {  	_ =	shalt  }
0x44: {  	_ =	shalt  }
0x45: {  	_ =	shalt  }
0x46: {  	_ =	shalt  }
0x47: {  	_ =	shalt  }
0x48: {  	_ =	shalt  }
0x49: {  	_ =	shalt  }
0x4a: {  	_ =	shalt  }
0x4b: {  	_ =	shalt  }
0x4c: {  	_ =	shalt  }
0x4d: {  	_ =	shalt  }
0x4e: {  	_ =	shalt  }
0x4f: {  	_ =	shalt  }
0x50: {  	_ =	shalt  }
0x51: {  	_ =	shalt  }
0x52: {  	_ =	shalt  }
0x53: {  	_ =	shalt  }
0x54: {  	_ =	shalt  }
0x55: {  	_ =	shalt  }
0x56: {  	_ =	shalt  }
0x57: {  	_ =	shalt  }
0x58: {  	_ =	shalt  }
0x59: {  	_ =	shalt  }
0x5a: {  	_ =	shalt  }
0x5b: {  	_ =	shalt  }
0x5c: {  	_ =	shalt  }
0x5d: {  	_ =	shalt  }
0x5e: {  	_ =	shalt  }
0x5f: {  	_ =	shalt  }
0x60: {  	_ =	shalt  }
0x61: {  	_ =	shalt  }
0x62: {  	_ =	shalt  }
0x63: {  	_ =	shalt  }
0x64: {  	_ =	shalt  }
0x65: {  	_ =	shalt  }
0x66: {  	_ =	shalt  }
0x67: {  	_ =	shalt  }
0x68: {  	_ =	shalt  }
0x69: {  	_ =	shalt  }
0x6a: {  	_ =	shalt  }
0x6b: {  	_ =	shalt  }
0x6c: {  	_ =	shalt  }
0x6d: {  	_ =	shalt  }
0x6e: {  	_ =	shalt  }
0x6f: {  	_ =	shalt  }
0x70: {  	_ =	shalt  }
0x71: {  	_ =	shalt  }
0x72: {  	_ =	shalt  }
0x73: {  	_ =	shalt  }
0x74: {  	_ =	shalt  }
0x75: {  	_ =	shalt  }
0x76: {  	_ =	shalt  }
0x77: {  	_ =	shalt  }
0x78: {  	_ =	shalt  }
0x79: {  	_ =	shalt  }
0x7a: {  	_ =	shalt  }
0x7b: {  	_ =	shalt  }
0x7c: {  	_ =	shalt  }
0x7d: {  	_ =	shalt  }
0x7e: {  	_ =	shalt  }
0x7f: {  	_ =	shalt  }
0x80: {  	_ =	shalt  }
0x81: {  	_ =	shalt  }
0x82: {  	_ =	shalt  }
0x83: {  	_ =	shalt  }
0x84: {  	_ =	shalt  }
0x85: {  	_ =	shalt  }
0x86: {  	_ =	shalt  }
0x87: {  	_ =	shalt  }
.Lfunc_end0:
.L_simem_size_0:
called_computation.1_lowered:
.L_overlay_start_0:
0x88: {  	s2 =	sld [smem:$0x3FD9]  }
0x89: {  	s3 =	sld [smem:$0x3FFE];
	_ =	sdelay $0x1  }
0x8a: {  	s1 =	srdreg.scid  }
0x8b: {  	s0 =	sand.u32 $0x1, s1  }
0x8c: {  	s16 =	sshll.u32 s0, $0xA;
	s2 =	sadd.s32 s3, s2  }
0x8d: {  	s2 =	sadd.s32 s2, s16  }
0x8e: {  	[smem:$0x3FC0] =	sst s2  }
0x8f: {  	_ = 	snop  }
0x90: {  	(tm) =	ssettm $0x1  }
0x91: {  	s17 =	sld [smem:$0x3FFB];
	_ =	sdelay $0x3  }
0x92: {  	_ =	strace s17  }
0x93: {  	s2 =	sld [smem:$0x3FFC];
	_ =	sdelay $0x3  }
0x94: {  	_ =	strace s2  }
0x95: {  	s2 =	sld [smem:$0x3FFD];
	_ =	sdelay $0x3  }
0x96: {  	_ =	strace s2  }
0x97: {  	_ =	strace $0x8FFFFFFF  }
0x98: {  	s18 =	sld [smem:$0x3FDB];
	_ =	sdelay $0x1  }
0x99: {  	s19 =	simm.s32 $_scs_section_size  }
0x9a: {  	s4 =	simm.s32 $_size__tile_overlayer_lowered;
	s5 =	simm.s32 $_tile_overlayer_lowered  }
0x9b: {  	s22 =	simm.s32 $0x1BFF;
	s21 =	sshll.u32 s5, $0x1;
	s2 =	sadd.s32 s19, s18  }
0x9c: {  	s6 =	simm.s32 $0x0;
	s20 =	sshll.u32 s4, $0x1;
	s4 =	sadd.s32 s21, s2  }
0x9d: {  	[timem:s6], [sflag:s22] =	dma.local [hbm:s4], s20  }
0x9e: {  	_ =	swait.ge [sflag:s22], s20  }
0x9f: {  	s3 =	ssub.s32 $0x0, s20;
	[sflag:s22] =	ssyncset.done $0x0  }
0xa0: {  	[sflag:s22] =	ssyncadd.s32 s3;
	_ =	sdelay $0x1  }
0xa1: {  	s23 =	simm.s32 $0x1B8B  }
0xa2: {  	_ =	swait.ge [sflag:s23], $0x1  }
0xa3: {  	[sflag:s23] =	ssyncset.done $0x0  }
0xa4: {  	s25 =	simm.s32 $0x1B8E;
	s24 =	sld [smem:$0x3FFE];
	[sflag:s23] =	ssyncadd.s32 $0xFFFFFFFF  }
0xa5: {  	s26 =	simm.s32 $execute0_lowered;
	[smem:$0x3FD2] =	sst s25  }
0xa6: {  	s4 =	sshll.u32 s26, $0x1;
	_ =	strace $0x80000049;
	[dreg:$0x1] =	wrdreg $0xFFFFFFFF  }
0xa7: {  	s28 =	simm.s32 $_size_execute0_lowered;
	s2 =	sadd.s32 s2, s4;
	[dreg:$0x0] =	wrdreg $0x0  }
0xa8: {  	s4 =	sshll.u32 s28, $0x1;
	[dreg:$0x2] =	wrdreg s2  }
0xa9: {  	[dreg:$0x3] =	wrdreg s4  }
0xaa: {  	[dreg:$0x4] =	wrdreg $0xC0  }
0xab: {  	_ =	task [dreg:s6], $0x5FFFF  }
0xac: {  	[dreg:$0x1] =	wrdreg $0xFFFFFFFF  }
0xad: {  	[dreg:$0x0] =	wrdreg $0x60  }
0xae: {  	[dreg:$0x2] =	wrdreg s24  }
0xaf: {  	[dreg:$0x3] =	wrdreg $0x9  }
0xb0: {  	_ =	task.clear_ibuf [dreg:s6], $0x4FFFF;
	_ =	strace $0x90000049  }
0xb1: {  	s29 =	simm.s32 $0x9;
	_ =	strace $0x8000004B  }
0xb2: {  	_ =	swait.ge [sflag:s29], $0x1  }
0xb3: {  	[sflag:s29] =	ssyncadd.s32 $0xFFFFFFFF  }
0xb4: {  	_ =	strace $0x9000004B  }
0xb5: {  	_ =	sfence  }
0xb6: {  	s30 =	sld [smem:$0x0];
	_ =	sdelay $0x2  }
0xb7: {  	s31 =	sshll.u32 s1, $0xD;
	s1 =	sshrl.u32 s1, $0x2  }
0xb8: {  	s3 =	sand.u32 $0x4000, s31;
	s1 =	sadd.s32 s1, s30  }
0xb9: {  	s0 =	sor.u32 s3, s0;
	s1 =	sshll.u32 s1, $0x11  }
0xba: {  	s0 =	sor.u32 s1, s0  }
0xbb: {  	s0 =	sadd.s32 $0x8F2B, s0  }
0xbc: {  	[sflag:s0] =	ssyncadd.remote.s32 $0x1  }
0xbd: {  	_ =	sfence.sel $0xFFFF  }
0xbe: {  	[dreg:$0x0] =	wrdreg $0xFFFFFFFF;
	(pc) =	sbr.abs _section_cstart, $3  }
0xbf: {  	[dreg:$0x1] =	wrdreg $0xFFFFFFFF  }
0xc0: {  	_ =	task.clear_ibuf [dreg:s6], $0x2FFFF;
	_ =	strace $0x9FFFFFFF  }
0xc1: {  	(tm) =	ssettm $0x7FFFFFFF  }
tec
execute0_lowered:
.L_overlay_start_1:
0x0: {  	(tag) =	ssettag $0x1  }
0x1: {  	s0 =	rddreg [dreg:$0x0];
	s2 =	simm.s32 $0x0  }
0x2: {  	s1 =	srdreg.scid;
	s4 =	stileid.u32;
	s24 =	simm.s32 $0x80  }
0x3: {  	s25 =	simm.s32 $0x100;
	s26 =	simm.s32 $0x180;
	s28 =	simm.s32 $0x2A00  }
0x4: {  	s29 =	simm.s32 $0x3200;
	s30 =	simm.s32 $0x3A00;
	s31 =	simm.s32 $0x4200  }
0x5: {  	s12 =	simm.s32 $0x6A00;
	[smem:$0x7FF] =	sst s2;
	s1 =	sand.u32 $0x1, s1  }
0x6: {  	s3 =	sadd.s32 $0x101E00, s0;
	s4 =	sshll.u32 s4, $0x8;
	s6 =	sadd.s32 $0x1C00, s0  }
0x7: {  	s13 =	sadd.s32 $0x1E00, s0;
	_ =	strace $0x8000004A;
	[dreg:$0xa] =	wrdreg s24  }
0x8: {  	s5 =	sshll.u32 s1, $0x7;
	s1 =	ssub.s32 $0x2, s1;
	[dreg:$0xb] =	wrdreg s25  }
0x9: {  	[dreg:$0xc] =	wrdreg s26;
	s26 =	simm.s32 $0x200;
	s24 =	simm.s32 $0x2200  }
0xa: {  	s25 =	simm.s32 $0x8200;
	s4 =	sor.u32 s5, s4;
	s7 =	sshrl.u32 s1, $0x1  }
0xb: {  	s5 =	sadd.s32 $0x102000, s0;
	s8 =	sshrl.u32 s4, $0x3;
	s1 =	ssub.s32 s1, s7  }
0xc: {  	s15 =	sor.u32 $0x20, s4;
	s9 =	sor.u32 $0x40, s4;
	s11 =	sor.u32 $0x60, s4  }
0xd: {  	s4 =	sshll.u32 s4, $0x7;
	s14 =	sadd.s32 s6, s8;
	s16 =	sshrl.u32 s15, $0x3  }
0xe: {  	s10 =	sshrl.u32 s9, $0x3;
	s18 =	sshrl.u32 s11, $0x3;
	s4 =	sadd.s32 s13, s4  }
0xf: {  	s19 =	sshll.u32 s15, $0x7;
	s21 =	sshll.u32 s9, $0x7;
	s22 =	sshll.u32 s11, $0x7  }
0x10: {  	s8 =	simm.s32 $0x3;
	s9 =	simm.s32 $0x4A00;
	s11 =	simm.s32 $0x6200  }
0x11: {  	s15 =	simm.s32 $0x8A00;
	[dreg:$0x2] =	wrdreg s14;
	s7 =	sadd.s32 s6, s16  }
0x12: {  	s17 =	sadd.s32 s6, s10;
	s6 =	sadd.s32 s6, s18;
	[dreg:$0x6] =	wrdreg s4  }
0x13: {  	s20 =	sadd.s32 s13, s19;
	s4 =	sadd.s32 $0x101F00, s0;
	[dreg:$0x3] =	wrdreg s7  }
0x14: {  	s23 =	sadd.s32 s13, s22;
	s22 =	simm.s32 $0x1200;
	[dreg:$0x4] =	wrdreg s17  }
0x15: {  	s10 =	simm.s32 $0x5A00;
	s14 =	simm.s32 $0x7A00;
	[dreg:$0x5] =	wrdreg s6  }
0x16: {  	s19 =	simm.s32 $0x1;
	s16 =	simm.s32 $0x9200;
	[dreg:$0x7] =	wrdreg s20  }
0x17: {  	v2 =	vlaneseq.u32;
	s18 =	simm.s32 $0xA200;
	s6 =	sadd.s32 s13, s21;
	[dreg:$0x9] =	wrdreg s23  }
0x18: {  	vm0 =	vmmov $0xffff;
	v1 =	vshrl.u32 v2, $0x3;
	s7 =	smax.u32 s1, $0x1;
	s23 =	simm.s32 $0x1A00;
	s13 =	simm.s32 $0x7200  }
0x19: {  	v0 =	vand.u32 $0x7, v2;
	v2 =	vor.u32 $0x8, v2;
	v1 =	vmul.u32 $0x8, v1;
	s17 =	simm.s32 $0x9A00;
	[dreg:$0x8] =	wrdreg s6;
	s6 =	sadd.s32 $0x102100, s0  }
.LBB2_1:
0x1a: {  	s20 =	rddreg [dreg:$0x2]  }
0x1b: {  	[tilespmem:s2], [sflag:$0x3] =	stream.linear.gather [hbm4b:s20+s2], $0x20, $0x38;
	[tilespmem:$0x10200] =	vst v63  }
0x1c: {  	_ =	swait.ge [sflag:s8], $0x20  }
0x1d: {  	s1 =	rddreg [dreg:$0x3];
	[sflag:s8] =	ssyncset.done $0x0  }
0x1e: {  	s21 =	rddreg [dreg:$0xa];
	[sflag:s8] =	ssyncadd.s32 $0xFFFFFFE0  }
0x1f: {  	[tilespmem:s21], [sflag:$0x3] =	stream.linear.gather [hbm4b:s1+s2], $0x20, $0x38;
	[tilespmem:$0x10200] =	vst v63  }
0x20: {  	_ =	swait.ge [sflag:s8], $0x20  }
0x21: {  	s0 =	rddreg [dreg:$0x4];
	[sflag:s8] =	ssyncset.done $0x0  }
0x22: {  	s1 =	rddreg [dreg:$0xb];
	[sflag:s8] =	ssyncadd.s32 $0xFFFFFFE0  }
0x23: {  	[tilespmem:s1], [sflag:$0x3] =	stream.linear.gather [hbm4b:s0+s2], $0x20, $0x38;
	[tilespmem:$0x10200] =	vst v63  }
0x24: {  	_ =	swait.ge [sflag:s8], $0x20  }
0x25: {  	s0 =	rddreg [dreg:$0x5];
	[sflag:s8] =	ssyncset.done $0x0  }
0x26: {  	s1 =	rddreg [dreg:$0xc];
	[sflag:s8] =	ssyncadd.s32 $0xFFFFFFE0  }
0x27: {  	[tilespmem:s1], [sflag:$0x3] =	stream.linear.gather [hbm4b:s0+s2], $0x20, $0x38;
	[tilespmem:$0x10200] =	vst v63  }
0x28: {  	_ =	swait.ge [sflag:s8], $0x20  }
0x29: {  	[sflag:s8] =	ssyncset.done $0x0  }
0x2a: {  	[sflag:s8] =	ssyncadd.s32 $0xFFFFFFE0  }
0x2b: {  	v3 =	vld [tilespmem:$0x0];
	_ =	sdelay $0x4  }
0x2c: {  	v4 =	vshll.u32 v3, $0x3  }
0x2d: {  	v3 =	vand.u32 $0x7, v3;
	v4 =	vand.u32 $0xFFFFFFC0, v4  }
0x2e: {  	v3 =	vor.u32 v3, v4  }
0x2f: {  	v4 =	vperm.xlane v3, v0;
	_ =	sdelay $0x1  }
0x30: {  	v4 =	vadd.s32 v1, v4;
	_ =	sdelay $0x4  }
0x31: {  	[tilespmem:s26], [sflag:$0x1] =	stream.indirect_vreg.gather [hbm4b:s3+s2], $0x80, v4, vm0, $0xb8;
	[tilespmem:$0x10200] =	vst v63  }
0x32: {  	s21 =	simm.s32 $0xA00;
	v3 =	vperm.xlane v3, v2  }
0x33: {  	[tilespmem:s21], [sflag:$0x1] =	stream.indirect_vreg.gather [hbm4b:s4+s2], $0x80, v4, vm0, $0xb8;
	[tilespmem:$0x10200] =	vst v63  }
0x34: {  	v3 =	vadd.s32 v1, v3  }
0x35: {  	[tilespmem:s22], [sflag:$0x1] =	stream.indirect_vreg.gather [hbm4b:s5+s2], $0x80, v4, vm0, $0xb8;
	[tilespmem:$0x10200] =	vst v63  }
0x36: {  	_ = 	snop  }
0x37: {  	[tilespmem:s23], [sflag:$0x1] =	stream.indirect_vreg.gather [hbm4b:s6+s2], $0x80, v4, vm0, $0xb8;
	[tilespmem:$0x10200] =	vst v63  }
0x38: {  	_ = 	snop  }
0x39: {  	[tilespmem:s24], [sflag:$0x1] =	stream.indirect_vreg.gather [hbm4b:s3+s2], $0x80, v3, vm0, $0xb8;
	[tilespmem:$0x10200] =	vst v63  }
0x3a: {  	_ = 	snop  }
0x3b: {  	[tilespmem:s28], [sflag:$0x1] =	stream.indirect_vreg.gather [hbm4b:s4+s2], $0x80, v3, vm0, $0xb8;
	[tilespmem:$0x10200] =	vst v63  }
0x3c: {  	_ = 	snop  }
0x3d: {  	[tilespmem:s29], [sflag:$0x1] =	stream.indirect_vreg.gather [hbm4b:s5+s2], $0x80, v3, vm0, $0xb8;
	[tilespmem:$0x10200] =	vst v63  }
0x3e: {  	_ = 	snop  }
0x3f: {  	[tilespmem:s30], [sflag:$0x1] =	stream.indirect_vreg.gather [hbm4b:s6+s2], $0x80, v3, vm0, $0xb8;
	[tilespmem:$0x10200] =	vst v63  }
0x40: {  	v3 =	vld [tilespmem:$0x10];
	_ =	sdelay $0x4  }
0x41: {  	v57 =	vshll.u32 v3, $0x3  }
0x42: {  	v3 =	vand.u32 $0x7, v3;
	v4 =	vand.u32 $0xFFFFFFC0, v57  }
0x43: {  	v3 =	vor.u32 v3, v4  }
0x44: {  	v4 =	vperm.xlane v3, v0;
	_ =	sdelay $0x1  }
0x45: {  	v4 =	vadd.s32 v1, v4;
	_ =	sdelay $0x4  }
0x46: {  	[tilespmem:s31], [sflag:$0x1] =	stream.indirect_vreg.gather [hbm4b:s3+s2], $0x80, v4, vm0, $0xb8;
	[tilespmem:$0x10200] =	vst v63  }
0x47: {  	v3 =	vperm.xlane v3, v2  }
0x48: {  	[tilespmem:s9], [sflag:$0x1] =	stream.indirect_vreg.gather [hbm4b:s4+s2], $0x80, v4, vm0, $0xb8;
	[tilespmem:$0x10200] =	vst v63  }
0x49: {  	s1 =	simm.s32 $0x5200;
	v3 =	vadd.s32 v1, v3  }
0x4a: {  	[tilespmem:s1], [sflag:$0x1] =	stream.indirect_vreg.gather [hbm4b:s5+s2], $0x80, v4, vm0, $0xb8;
	[tilespmem:$0x10200] =	vst v63  }
0x4b: {  	_ = 	snop  }
0x4c: {  	[tilespmem:s10], [sflag:$0x1] =	stream.indirect_vreg.gather [hbm4b:s6+s2], $0x80, v4, vm0, $0xb8;
	[tilespmem:$0x10200] =	vst v63  }
0x4d: {  	_ = 	snop  }
0x4e: {  	[tilespmem:s11], [sflag:$0x1] =	stream.indirect_vreg.gather [hbm4b:s3+s2], $0x80, v3, vm0, $0xb8;
	[tilespmem:$0x10200] =	vst v63  }
0x4f: {  	_ = 	snop  }
0x50: {  	[tilespmem:s12], [sflag:$0x1] =	stream.indirect_vreg.gather [hbm4b:s4+s2], $0x80, v3, vm0, $0xb8;
	[tilespmem:$0x10200] =	vst v63  }
0x51: {  	_ = 	snop  }
0x52: {  	[tilespmem:s13], [sflag:$0x1] =	stream.indirect_vreg.gather [hbm4b:s5+s2], $0x80, v3, vm0, $0xb8;
	[tilespmem:$0x10200] =	vst v63  }
0x53: {  	_ = 	snop  }
0x54: {  	[tilespmem:s14], [sflag:$0x1] =	stream.indirect_vreg.gather [hbm4b:s6+s2], $0x80, v3, vm0, $0xb8;
	[tilespmem:$0x10200] =	vst v63  }
0x55: {  	_ =	swait.ge [sflag:s19], $0x8000  }
0x56: {  	[sflag:s19] =	ssyncset.done $0x0  }
0x57: {  	[sflag:s19] =	ssyncadd.s32 $0xFFFF8000  }
0x58: {  	v3 =	vld [tilespmem:$0x80];
	_ =	sdelay $0x4  }
0x59: {  	v58 =	vshll.u32 v3, $0x3  }
0x5a: {  	v3 =	vand.u32 $0x7, v3;
	v4 =	vand.u32 $0xFFFFFFC0, v58  }
0x5b: {  	v3 =	vor.u32 v3, v4  }
0x5c: {  	v4 =	vperm.xlane v3, v0;
	_ =	sdelay $0x1  }
0x5d: {  	v4 =	vadd.s32 v1, v4;
	_ =	sdelay $0x4  }
0x5e: {  	[tilespmem:s25], [sflag:$0x2] =	stream.indirect_vreg.gather [hbm4b:s3+s2], $0x80, v4, vm0, $0xb8;
	[tilespmem:$0x10200] =	vst v63  }
0x5f: {  	v3 =	vperm.xlane v3, v2  }
0x60: {  	[tilespmem:s15], [sflag:$0x2] =	stream.indirect_vreg.gather [hbm4b:s4+s2], $0x80, v4, vm0, $0xb8;
	[tilespmem:$0x10200] =	vst v63  }
0x61: {  	v3 =	vadd.s32 v1, v3  }
0x62: {  	[tilespmem:s16], [sflag:$0x2] =	stream.indirect_vreg.gather [hbm4b:s5+s2], $0x80, v4, vm0, $0xb8;
	[tilespmem:$0x10200] =	vst v63  }
0x63: {  	_ = 	snop  }
0x64: {  	[tilespmem:s17], [sflag:$0x2] =	stream.indirect_vreg.gather [hbm4b:s6+s2], $0x80, v4, vm0, $0xb8;
	[tilespmem:$0x10200] =	vst v63  }
0x65: {  	_ = 	snop  }
0x66: {  	[tilespmem:s18], [sflag:$0x2] =	stream.indirect_vreg.gather [hbm4b:s3+s2], $0x80, v3, vm0, $0xb8;
	[tilespmem:$0x10200] =	vst v63  }
0x67: {  	s0 =	simm.s32 $0xAA00  }
0x68: {  	[tilespmem:s0], [sflag:$0x2] =	stream.indirect_vreg.gather [hbm4b:s4+s2], $0x80, v3, vm0, $0xb8;
	[tilespmem:$0x10200] =	vst v63  }
0x69: {  	s20 =	simm.s32 $0xB200  }
0x6a: {  	[tilespmem:s20], [sflag:$0x2] =	stream.indirect_vreg.gather [hbm4b:s5+s2], $0x80, v3, vm0, $0xb8;
	[tilespmem:$0x10200] =	vst v63  }
0x6b: {  	s20 =	simm.s32 $0xBA00  }
0x6c: {  	[tilespmem:s20], [sflag:$0x2] =	stream.indirect_vreg.gather [hbm4b:s6+s2], $0x80, v3, vm0, $0xb8;
	[tilespmem:$0x10200] =	vst v63  }
0x6d: {  	v3 =	vld [tilespmem:$0x90];
	_ =	sdelay $0x4  }
0x6e: {  	v59 =	vshll.u32 v3, $0x3  }
0x6f: {  	v3 =	vand.u32 $0x7, v3;
	v4 =	vand.u32 $0xFFFFFFC0, v59  }
0x70: {  	v3 =	vor.u32 v3, v4  }
0x71: {  	v4 =	vperm.xlane v3, v0;
	_ =	sdelay $0x1  }
0x72: {  	v4 =	vadd.s32 v1, v4;
	_ =	sdelay $0x3  }
0x73: {  	s20 =	simm.s32 $0xC200  }
0x74: {  	[tilespmem:s20], [sflag:$0x2] =	stream.indirect_vreg.gather [hbm4b:s3+s2], $0x80, v4, vm0, $0xb8;
	[tilespmem:$0x10200] =	vst v63  }
0x75: {  	v3 =	vperm.xlane v3, v2;
	s20 =	simm.s32 $0xCA00  }
0x76: {  	[tilespmem:s20], [sflag:$0x2] =	stream.indirect_vreg.gather [hbm4b:s4+s2], $0x80, v4, vm0, $0xb8;
	[tilespmem:$0x10200] =	vst v63  }
0x77: {  	v3 =	vadd.s32 v1, v3;
	s20 =	simm.s32 $0xD200  }
0x78: {  	[tilespmem:s20], [sflag:$0x2] =	stream.indirect_vreg.gather [hbm4b:s5+s2], $0x80, v4, vm0, $0xb8;
	[tilespmem:$0x10200] =	vst v63  }
0x79: {  	s20 =	simm.s32 $0xDA00  }
0x7a: {  	[tilespmem:s20], [sflag:$0x2] =	stream.indirect_vreg.gather [hbm4b:s6+s2], $0x80, v4, vm0, $0xb8;
	[tilespmem:$0x10200] =	vst v63  }
0x7b: {  	s20 =	simm.s32 $0xE200  }
0x7c: {  	[tilespmem:s20], [sflag:$0x2] =	stream.indirect_vreg.gather [hbm4b:s3+s2], $0x80, v3, vm0, $0xb8;
	[tilespmem:$0x10200] =	vst v63  }
0x7d: {  	s20 =	simm.s32 $0xEA00  }
0x7e: {  	[tilespmem:s20], [sflag:$0x2] =	stream.indirect_vreg.gather [hbm4b:s4+s2], $0x80, v3, vm0, $0xb8;
	[tilespmem:$0x10200] =	vst v63  }
0x7f: {  	s20 =	simm.s32 $0xF200  }
0x80: {  	[tilespmem:s20], [sflag:$0x2] =	stream.indirect_vreg.gather [hbm4b:s5+s2], $0x80, v3, vm0, $0xb8;
	[tilespmem:$0x10200] =	vst v63  }
0x81: {  	s0 =	simm.s32 $0xFA00  }
0x82: {  	[tilespmem:s0], [sflag:$0x2] =	stream.indirect_vreg.gather [hbm4b:s6+s2], $0x80, v3, vm0, $0xb8;
	[tilespmem:$0x10200] =	vst v63  }
0x83: {  	s20 =	rddreg [dreg:$0x6]  }
0x84: {  	[hbm4b:s20+s2] =	stream.linear.scatter [tilespmem:s26], [sflag:$0x3], $0x8000, $0x38;
	[tilespmem:$0x10200] =	vst v63  }
0x85: {  	_ =	swait.ge [sflag:s8], $0x8000  }
0x86: {  	[sflag:s8] =	ssyncset.done $0x0  }
0x87: {  	s0 =	simm.s32 $0x2;
	[sflag:s8] =	ssyncadd.s32 $0xFFFF8000  }
0x88: {  	_ =	swait.ge [sflag:s0], $0x8000  }
0x89: {  	[sflag:s0] =	ssyncset.done $0x0  }
0x8a: {  	[sflag:s0] =	ssyncadd.s32 $0xFFFF8000  }
0x8b: {  	v3 =	vld [tilespmem:$0x100];
	_ =	sdelay $0x4  }
0x8c: {  	v60 =	vshll.u32 v3, $0x3  }
0x8d: {  	v3 =	vand.u32 $0x7, v3;
	v4 =	vand.u32 $0xFFFFFFC0, v60  }
0x8e: {  	v3 =	vor.u32 v3, v4  }
0x8f: {  	v4 =	vperm.xlane v3, v0;
	_ =	sdelay $0x1  }
0x90: {  	v4 =	vadd.s32 v1, v4;
	_ =	sdelay $0x4  }
0x91: {  	[tilespmem:s26], [sflag:$0x1] =	stream.indirect_vreg.gather [hbm4b:s3+s2], $0x80, v4, vm0, $0xb8;
	[tilespmem:$0x10200] =	vst v63  }
0x92: {  	v3 =	vperm.xlane v3, v2  }
0x93: {  	[tilespmem:s21], [sflag:$0x1] =	stream.indirect_vreg.gather [hbm4b:s4+s2], $0x80, v4, vm0, $0xb8;
	[tilespmem:$0x10200] =	vst v63  }
0x94: {  	v3 =	vadd.s32 v1, v3  }
0x95: {  	[tilespmem:s22], [sflag:$0x1] =	stream.indirect_vreg.gather [hbm4b:s5+s2], $0x80, v4, vm0, $0xb8;
	[tilespmem:$0x10200] =	vst v63  }
0x96: {  	_ = 	snop  }
0x97: {  	[tilespmem:s23], [sflag:$0x1] =	stream.indirect_vreg.gather [hbm4b:s6+s2], $0x80, v4, vm0, $0xb8;
	[tilespmem:$0x10200] =	vst v63  }
0x98: {  	_ = 	snop  }
0x99: {  	[tilespmem:s24], [sflag:$0x1] =	stream.indirect_vreg.gather [hbm4b:s3+s2], $0x80, v3, vm0, $0xb8;
	[tilespmem:$0x10200] =	vst v63  }
0x9a: {  	_ = 	snop  }
0x9b: {  	[tilespmem:s28], [sflag:$0x1] =	stream.indirect_vreg.gather [hbm4b:s4+s2], $0x80, v3, vm0, $0xb8;
	[tilespmem:$0x10200] =	vst v63  }
0x9c: {  	_ = 	snop  }
0x9d: {  	[tilespmem:s29], [sflag:$0x1] =	stream.indirect_vreg.gather [hbm4b:s5+s2], $0x80, v3, vm0, $0xb8;
	[tilespmem:$0x10200] =	vst v63  }
0x9e: {  	_ = 	snop  }
0x9f: {  	[tilespmem:s30], [sflag:$0x1] =	stream.indirect_vreg.gather [hbm4b:s6+s2], $0x80, v3, vm0, $0xb8;
	[tilespmem:$0x10200] =	vst v63  }
0xa0: {  	v3 =	vld [tilespmem:$0x110];
	_ =	sdelay $0x4  }
0xa1: {  	v61 =	vshll.u32 v3, $0x3  }
0xa2: {  	v3 =	vand.u32 $0x7, v3;
	v4 =	vand.u32 $0xFFFFFFC0, v61  }
0xa3: {  	v3 =	vor.u32 v3, v4  }
0xa4: {  	v4 =	vperm.xlane v3, v0;
	_ =	sdelay $0x1  }
0xa5: {  	v4 =	vadd.s32 v1, v4;
	_ =	sdelay $0x4  }
0xa6: {  	[tilespmem:s31], [sflag:$0x1] =	stream.indirect_vreg.gather [hbm4b:s3+s2], $0x80, v4, vm0, $0xb8;
	[tilespmem:$0x10200] =	vst v63  }
0xa7: {  	v3 =	vperm.xlane v3, v2  }
0xa8: {  	[tilespmem:s9], [sflag:$0x1] =	stream.indirect_vreg.gather [hbm4b:s4+s2], $0x80, v4, vm0, $0xb8;
	[tilespmem:$0x10200] =	vst v63  }
0xa9: {  	v3 =	vadd.s32 v1, v3  }
0xaa: {  	[tilespmem:s1], [sflag:$0x1] =	stream.indirect_vreg.gather [hbm4b:s5+s2], $0x80, v4, vm0, $0xb8;
	[tilespmem:$0x10200] =	vst v63  }
0xab: {  	_ = 	snop  }
0xac: {  	[tilespmem:s10], [sflag:$0x1] =	stream.indirect_vreg.gather [hbm4b:s6+s2], $0x80, v4, vm0, $0xb8;
	[tilespmem:$0x10200] =	vst v63  }
0xad: {  	_ = 	snop  }
0xae: {  	[tilespmem:s11], [sflag:$0x1] =	stream.indirect_vreg.gather [hbm4b:s3+s2], $0x80, v3, vm0, $0xb8;
	[tilespmem:$0x10200] =	vst v63  }
0xaf: {  	_ = 	snop  }
0xb0: {  	[tilespmem:s12], [sflag:$0x1] =	stream.indirect_vreg.gather [hbm4b:s4+s2], $0x80, v3, vm0, $0xb8;
	[tilespmem:$0x10200] =	vst v63  }
0xb1: {  	_ = 	snop  }
0xb2: {  	[tilespmem:s13], [sflag:$0x1] =	stream.indirect_vreg.gather [hbm4b:s5+s2], $0x80, v3, vm0, $0xb8;
	[tilespmem:$0x10200] =	vst v63  }
0xb3: {  	_ = 	snop  }
0xb4: {  	[tilespmem:s14], [sflag:$0x1] =	stream.indirect_vreg.gather [hbm4b:s6+s2], $0x80, v3, vm0, $0xb8;
	[tilespmem:$0x10200] =	vst v63  }
0xb5: {  	s1 =	rddreg [dreg:$0x7]  }
0xb6: {  	[hbm4b:s1+s2] =	stream.linear.scatter [tilespmem:s25], [sflag:$0x3], $0x8000, $0x38;
	[tilespmem:$0x10200] =	vst v63  }
0xb7: {  	_ =	swait.ge [sflag:s8], $0x8000  }
0xb8: {  	[sflag:s8] =	ssyncset.done $0x0  }
0xb9: {  	[sflag:s8] =	ssyncadd.s32 $0xFFFF8000  }
0xba: {  	_ =	swait.ge [sflag:s19], $0x8000  }
0xbb: {  	[sflag:s19] =	ssyncset.done $0x0  }
0xbc: {  	[sflag:s19] =	ssyncadd.s32 $0xFFFF8000  }
0xbd: {  	v3 =	vld [tilespmem:$0x180];
	_ =	sdelay $0x4  }
0xbe: {  	v62 =	vshll.u32 v3, $0x3  }
0xbf: {  	v3 =	vand.u32 $0x7, v3;
	v4 =	vand.u32 $0xFFFFFFC0, v62  }
0xc0: {  	v3 =	vor.u32 v3, v4  }
0xc1: {  	v4 =	vperm.xlane v3, v0;
	_ =	sdelay $0x1  }
0xc2: {  	v4 =	vadd.s32 v1, v4;
	_ =	sdelay $0x4  }
0xc3: {  	[tilespmem:s25], [sflag:$0x2] =	stream.indirect_vreg.gather [hbm4b:s3+s2], $0x80, v4, vm0, $0xb8;
	[tilespmem:$0x10200] =	vst v63  }
0xc4: {  	v3 =	vperm.xlane v3, v2  }
0xc5: {  	[tilespmem:s15], [sflag:$0x2] =	stream.indirect_vreg.gather [hbm4b:s4+s2], $0x80, v4, vm0, $0xb8;
	[tilespmem:$0x10200] =	vst v63  }
0xc6: {  	v3 =	vadd.s32 v1, v3  }
0xc7: {  	[tilespmem:s16], [sflag:$0x2] =	stream.indirect_vreg.gather [hbm4b:s5+s2], $0x80, v4, vm0, $0xb8;
	[tilespmem:$0x10200] =	vst v63  }
0xc8: {  	_ = 	snop  }
0xc9: {  	[tilespmem:s17], [sflag:$0x2] =	stream.indirect_vreg.gather [hbm4b:s6+s2], $0x80, v4, vm0, $0xb8;
	[tilespmem:$0x10200] =	vst v63  }
0xca: {  	_ = 	snop  }
0xcb: {  	[tilespmem:s18], [sflag:$0x2] =	stream.indirect_vreg.gather [hbm4b:s3+s2], $0x80, v3, vm0, $0xb8;
	[tilespmem:$0x10200] =	vst v63  }
0xcc: {  	s21 =	simm.s32 $0xAA00  }
0xcd: {  	[tilespmem:s21], [sflag:$0x2] =	stream.indirect_vreg.gather [hbm4b:s4+s2], $0x80, v3, vm0, $0xb8;
	[tilespmem:$0x10200] =	vst v63  }
0xce: {  	s20 =	simm.s32 $0xB200  }
0xcf: {  	[tilespmem:s20], [sflag:$0x2] =	stream.indirect_vreg.gather [hbm4b:s5+s2], $0x80, v3, vm0, $0xb8;
	[tilespmem:$0x10200] =	vst v63  }
0xd0: {  	s21 =	simm.s32 $0xBA00  }
0xd1: {  	[tilespmem:s21], [sflag:$0x2] =	stream.indirect_vreg.gather [hbm4b:s6+s2], $0x80, v3, vm0, $0xb8;
	[tilespmem:$0x10200] =	vst v63  }
0xd2: {  	v3 =	vld [tilespmem:$0x190];
	_ =	sdelay $0x4  }
0xd3: {  	v63 =	vshll.u32 v3, $0x3  }
0xd4: {  	v3 =	vand.u32 $0x7, v3;
	v4 =	vand.u32 $0xFFFFFFC0, v63  }
0xd5: {  	v3 =	vor.u32 v3, v4  }
0xd6: {  	v4 =	vperm.xlane v3, v0;
	_ =	sdelay $0x1  }
0xd7: {  	v4 =	vadd.s32 v1, v4;
	_ =	sdelay $0x3  }
0xd8: {  	s20 =	simm.s32 $0xC200  }
0xd9: {  	[tilespmem:s20], [sflag:$0x2] =	stream.indirect_vreg.gather [hbm4b:s3+s2], $0x80, v4, vm0, $0xb8;
	[tilespmem:$0x10200] =	vst v63  }
0xda: {  	s21 =	simm.s32 $0xCA00;
	v3 =	vperm.xlane v3, v2  }
0xdb: {  	[tilespmem:s21], [sflag:$0x2] =	stream.indirect_vreg.gather [hbm4b:s4+s2], $0x80, v4, vm0, $0xb8;
	[tilespmem:$0x10200] =	vst v63  }
0xdc: {  	v3 =	vadd.s32 v1, v3;
	s20 =	simm.s32 $0xD200  }
0xdd: {  	[tilespmem:s20], [sflag:$0x2] =	stream.indirect_vreg.gather [hbm4b:s5+s2], $0x80, v4, vm0, $0xb8;
	[tilespmem:$0x10200] =	vst v63  }
0xde: {  	s21 =	simm.s32 $0xDA00  }
0xdf: {  	[tilespmem:s21], [sflag:$0x2] =	stream.indirect_vreg.gather [hbm4b:s6+s2], $0x80, v4, vm0, $0xb8;
	[tilespmem:$0x10200] =	vst v63  }
0xe0: {  	s20 =	simm.s32 $0xE200  }
0xe1: {  	[tilespmem:s20], [sflag:$0x2] =	stream.indirect_vreg.gather [hbm4b:s3+s2], $0x80, v3, vm0, $0xb8;
	[tilespmem:$0x10200] =	vst v63  }
0xe2: {  	s21 =	simm.s32 $0xEA00  }
0xe3: {  	[tilespmem:s21], [sflag:$0x2] =	stream.indirect_vreg.gather [hbm4b:s4+s2], $0x80, v3, vm0, $0xb8;
	[tilespmem:$0x10200] =	vst v63  }
0xe4: {  	s20 =	simm.s32 $0xF200  }
0xe5: {  	[tilespmem:s20], [sflag:$0x2] =	stream.indirect_vreg.gather [hbm4b:s5+s2], $0x80, v3, vm0, $0xb8;
	[tilespmem:$0x10200] =	vst v63  }
0xe6: {  	s21 =	simm.s32 $0xFA00  }
0xe7: {  	[tilespmem:s21], [sflag:$0x2] =	stream.indirect_vreg.gather [hbm4b:s6+s2], $0x80, v3, vm0, $0xb8;
	[tilespmem:$0x10200] =	vst v63  }
0xe8: {  	s20 =	rddreg [dreg:$0x8]  }
0xe9: {  	[hbm4b:s20+s2] =	stream.linear.scatter [tilespmem:s26], [sflag:$0x3], $0x8000, $0x38;
	[tilespmem:$0x10200] =	vst v63  }
0xea: {  	_ =	swait.ge [sflag:s8], $0x8000  }
0xeb: {  	[sflag:s8] =	ssyncset.done $0x0  }
0xec: {  	[sflag:s8] =	ssyncadd.s32 $0xFFFF8000  }
0xed: {  	_ =	swait.ge [sflag:s0], $0x8000  }
0xee: {  	p0 =	sne.s32 s7, $0x1;
	[sflag:s0] =	ssyncset.done $0x0  }
.Ltmp0:
0xef: {  	s21 =	rddreg [dreg:$0x9];
	[sflag:s0] =	ssyncadd.s32 $0xFFFF8000;
	(pc) =	sbr.rel @p0 .LBB2_1-.Ltmp0, $4  }
0xf0: {  	[hbm4b:s21+s2] =	stream.linear.scatter [tilespmem:s25], [sflag:$0x3], $0x8000, $0x38;
	[tilespmem:$0x10200] =	vst v63  }
0xf1: {  	_ =	swait.ge [sflag:s8], $0x8000  }
0xf2: {  	[sflag:s8] =	ssyncset.done $0x0  }
0xf3: {  	s7 =	sadd.s32 $0xFFFFFFFF, s7;
	[sflag:s8] =	ssyncadd.s32 $0xFFFF8000  }
0xf4: {  	_ =	sfence.sel $0x180000  }
0xf5: {  	[bflag:$0x0] =	sbarrier.arrive $0xFFFF  }
0xf6: {  	_ =	strace $0x9000004A  }
0xf7: {  	s0 =	stileid.u32;
	[bflag:$0x2] =	sbarrier.arrive $0xFFFF  }
0xf8: {  	p0 =	sne.s32 s0, $0x0;
	s0 =	rddreg [dreg:$0x1]  }
0xf9: {  	s0 =	sadd.s32 @!p0 $0x100000, s0  }
0xfa: {  	[sflag:s0] =	ssyncadd.tile.s32 @!p0 $0x1;
	_ =	shalt  }
.Lfunc_end2:
_tile_overlayer_lowered:
.L_overlay_start_2:
0xfb: {  	(tag) =	ssettag $0x2  }
0xfc: {  	s0 =	rddreg [dreg:$0x0];
	s2 =	stileid.u32  }
0xfd: {  	s1 =	rddreg [dreg:$0x1];
	p0 =	sne.s32 s2, $0x0  }
0xfe: {  	s3 =	rddreg [dreg:$0x2];
	[bflag:$0x3] =	sbarrier.arrive $0xFFFF;
	s2 =	simm.s32 @!p0 $0x1C03  }
0xff: {  	[timem:s3], [sflag:s2] =	dma.local @!p0 [hbm:s0], s1  }
0x100: {  	s0 =	simm.s32 @!p0 $0x3  }
0x101: {  	_ =	swait.ge @!p0 [sflag:s0], s1  }
0x102: {  	s1 =	ssub.s32 @!p0 $0x0, s1;
	[sflag:s0] =	ssyncset.done @!p0 $0x0  }
0x103: {  	[sflag:s0] =	ssyncadd.s32 @!p0 s1  }
0x104: {  	[bflag:$0x3] =	sbarrier.arrive $0xFFFF  }
0x105: {  	_ =	shalt  }

// kernel: kernel.9.cloned.1.call-start
scs
__scs_entry_jumppad:
0x0: {  	(pc) =	sbr.rel $0x88, $3  }
0x1: {  	(tag) =	ssettag $0x0;
	lr =	simm.s32 $0x1  }
0x2: {  	[smem:$0x3F99] =	sst lr;
	_ =	strace $0xD0000000  }
0x3: {  	_ = 	snop  }
0x4: {  	_ = 	snop  }
0x5: {  	_ = 	snop  }
0x6: {  	_ = 	snop  }
0x7: {  	_ = 	snop  }
__scs_overlays_trampoline_lowered:
0x8: {  	[smem:$0x3FA8] =	sst s0  }
0x9: {  	[smem:$0x3FA9] =	sst s1  }
0xa: {  	[smem:$0x3FAA] =	sst s2  }
0xb: {  	[smem:$0x3FAB] =	sst s3  }
0xc: {  	[smem:$0x3FAC] =	sst s4  }
0xd: {  	[smem:$0x3FAD] =	sst s5  }
0xe: {  	[smem:$0x3FAE] =	sst s6  }
0xf: {  	[smem:$0x3FAF] =	sst s7  }
0x10: {  	[smem:$0x3FB0] =	sst s8  }
0x11: {  	[smem:$0x3FB1] =	sst s9;
	s0 =	simm.s32 @!p0 $0x0  }
0x12: {  	s1 =	sld [smem:$0x3F97];
	s0 =	simm.s32 @p0 $0x1  }
0x13: {  	[smem:$0x3FB2] =	sst s0;
	s0 =	simm.s32 @!p1 $0x0  }
0x14: {  	s2 =	sld [smem:$0x3F96];
	s0 =	simm.s32 @p1 $0x1  }
0x15: {  	[smem:$0x3FB3] =	sst s0;
	s0 =	simm.s32 @!p2 $0x0  }
0x16: {  	s3 =	sld [smem:$0x3FDB];
	s0 =	simm.s32 @p2 $0x1  }
0x17: {  	s4 =	simm.s32 $0x1BF5;
	[smem:$0x3FB5] =	sst s0  }
0x18: {  	s0 =	sld [smem:$0x3F98];
	_ =	swait.ge [sflag:s4], $0x0  }
0x19: {  	s7 =	sld [smem:$0x3F99]  }
0x1a: {  	s8 =	sadd.s32 $0xFFFFE003, lr  }
0x1b: {  	s9 =	sadd.s32 $0xFFFFFEF7, lr;
	s5 =	simm.s32 $0xFFFFFFFF;
	p2 =	slt.u32 s8, $0xFFFFF086  }
0x1c: {  	p1 =	slt.u32 s9, $0xF7A;
	s5 =	simm.s32 @!p2 $0x0  }
0x1d: {  	s5 =	simm.s32 @p1 $0x1;
	p0 =	seq.s32 s7, s2  }
0x1e: {  	s7 =	smul.u32 @!p0 $0xF7A, s2;
	p2 =	seq.s32 @!p0 s5, $0x0  }
0x1f: {  	s9 =	smul.u32 $0xF7A, s1;
	s8 =	simm.s32 @!p0 $0x1BF5;
	p2 =	por !p2, p0  }
0x20: {  	[sflag:s8] =	ssyncset.s32 @!p0 $0xFFFFF086;
	s6 =	sadd.s32 @!p0 s3, s7;
	s7 =	simm.s32 @!p0 $0x108  }
0x21: {  	s3 =	sadd.s32 s3, s9;
	s6 =	sadd.s32 @!p0 $0x88, s6;
	s7 =	simm.s32 @p2 $0x1082  }
0x22: {  	[simem:s7], [sflag:s8] =	dma.local @!p0 [hbm:s6], $0xF7A  }
0x23: {  	s9 =	sor.u32 $0xD0000000, s2;
	s6 =	simm.s32 $0x108;
	_ =	swait.ge @!p0 [sflag:s8], $0x0  }
0x24: {  	s3 =	sadd.s32 $0x88, s3;
	s6 =	simm.s32 @!p1 $0x1082;
	[sflag:s4] =	ssyncset.s32 $0xFFFFF086  }
0x25: {  	[simem:s6], [sflag:s4] =	dma.local [hbm:s3], $0xF7A  }
0x26: {  	[smem:$0x3F99] =	sst s1;
	(tag) =	ssettag s2;
	_ =	strace s9  }
0x27: {  	s1 =	sld [smem:$0x3FA9]  }
0x28: {  	s2 =	sld [smem:$0x3FAA]  }
0x29: {  	s4 =	sld [smem:$0x3FAC]  }
0x2a: {  	p0 =	seq.s32 s5, $0x0;
	s5 =	sld [smem:$0x3FAD]  }
0x2b: {  	s6 =	sld [smem:$0x3FAE]  }
0x2c: {  	s7 =	sld [smem:$0x3FAF]  }
0x2d: {  	s3 =	simm.s32 $0x108;
	s8 =	sld [smem:$0x3FB0]  }
0x2e: {  	s3 =	simm.s32 @!p0 $0x1082;
	s9 =	sld [smem:$0x3FB1]  }
0x2f: {  	lr =	sadd.s32 s0, s3;
	s0 =	sld [smem:$0x3FA8]  }
0x30: {  	s3 =	sld [smem:$0x3FAB]  }
0x31: {  	[smem:$0x3FB4] =	sst s10  }
0x32: {  	s10 =	sld [smem:$0x3FB2];
	_ =	sdelay $0x3  }
0x33: {  	p0 =	seq.s32 s10, $0x1;
	s10 =	sld [smem:$0x3FB4];
	_ =	sdelay $0x3  }
0x34: {  	[smem:$0x3FB4] =	sst s10  }
0x35: {  	s10 =	sld [smem:$0x3FB3];
	_ =	sdelay $0x3  }
0x36: {  	p1 =	seq.s32 s10, $0x1;
	s10 =	sld [smem:$0x3FB4];
	_ =	sdelay $0x3  }
0x37: {  	[smem:$0x3FB4] =	sst s10  }
0x38: {  	s10 =	sld [smem:$0x3FB5]  }
0x39: {  	_ = 	snop;
	(pc) =	sbr.ind lr, $3  }
0x3a: {  	_ = 	snop  }
0x3b: {  	_ = 	snop  }
0x3c: {  	p2 =	seq.s32 s10, $0x1;
	s10 =	sld [smem:$0x3FB4]  }
0x3d: {  	_ =	shalt  }
0x3e: {  	_ =	shalt  }
0x3f: {  	_ =	shalt  }
0x40: {  	_ =	shalt  }
0x41: {  	_ =	shalt  }
0x42: {  	_ =	shalt  }
0x43: {  	_ =	shalt  }
0x44: {  	_ =	shalt  }
0x45: {  	_ =	shalt  }
0x46: {  	_ =	shalt  }
0x47: {  	_ =	shalt  }
0x48: {  	_ =	shalt  }
0x49: {  	_ =	shalt  }
0x4a: {  	_ =	shalt  }
0x4b: {  	_ =	shalt  }
0x4c: {  	_ =	shalt  }
0x4d: {  	_ =	shalt  }
0x4e: {  	_ =	shalt  }
0x4f: {  	_ =	shalt  }
0x50: {  	_ =	shalt  }
0x51: {  	_ =	shalt  }
0x52: {  	_ =	shalt  }
0x53: {  	_ =	shalt  }
0x54: {  	_ =	shalt  }
0x55: {  	_ =	shalt  }
0x56: {  	_ =	shalt  }
0x57: {  	_ =	shalt  }
0x58: {  	_ =	shalt  }
0x59: {  	_ =	shalt  }
0x5a: {  	_ =	shalt  }
0x5b: {  	_ =	shalt  }
0x5c: {  	_ =	shalt  }
0x5d: {  	_ =	shalt  }
0x5e: {  	_ =	shalt  }
0x5f: {  	_ =	shalt  }
0x60: {  	_ =	shalt  }
0x61: {  	_ =	shalt  }
0x62: {  	_ =	shalt  }
0x63: {  	_ =	shalt  }
0x64: {  	_ =	shalt  }
0x65: {  	_ =	shalt  }
0x66: {  	_ =	shalt  }
0x67: {  	_ =	shalt  }
0x68: {  	_ =	shalt  }
0x69: {  	_ =	shalt  }
0x6a: {  	_ =	shalt  }
0x6b: {  	_ =	shalt  }
0x6c: {  	_ =	shalt  }
0x6d: {  	_ =	shalt  }
0x6e: {  	_ =	shalt  }
0x6f: {  	_ =	shalt  }
0x70: {  	_ =	shalt  }
0x71: {  	_ =	shalt  }
0x72: {  	_ =	shalt  }
0x73: {  	_ =	shalt  }
0x74: {  	_ =	shalt  }
0x75: {  	_ =	shalt  }
0x76: {  	_ =	shalt  }
0x77: {  	_ =	shalt  }
0x78: {  	_ =	shalt  }
0x79: {  	_ =	shalt  }
0x7a: {  	_ =	shalt  }
0x7b: {  	_ =	shalt  }
0x7c: {  	_ =	shalt  }
0x7d: {  	_ =	shalt  }
0x7e: {  	_ =	shalt  }
0x7f: {  	_ =	shalt  }
0x80: {  	_ =	shalt  }
0x81: {  	_ =	shalt  }
0x82: {  	_ =	shalt  }
0x83: {  	_ =	shalt  }
0x84: {  	_ =	shalt  }
0x85: {  	_ =	shalt  }
0x86: {  	_ =	shalt  }
0x87: {  	_ =	shalt  }
.Lfunc_end0:
.L_simem_size_0:
called_computation_lowered:
.L_overlay_start_0:
0x88: {  	s2 =	sld [smem:$0x3FD9]  }
0x89: {  	s3 =	sld [smem:$0x3FFE];
	_ =	sdelay $0x1  }
0x8a: {  	s1 =	srdreg.scid  }
0x8b: {  	s0 =	sand.u32 $0x1, s1  }
0x8c: {  	s17 =	sshll.u32 s0, $0xA;
	s2 =	sadd.s32 s3, s2  }
0x8d: {  	s2 =	sadd.s32 s2, s17  }
0x8e: {  	[smem:$0x3FC0] =	sst s2  }
0x8f: {  	_ = 	snop  }
0x90: {  	s2 =	sld [smem:$0x3FC9];
	(tm) =	ssettm $0x1  }
0x91: {  	s18 =	sld [smem:$0x3FFB];
	_ =	sdelay $0x3  }
0x92: {  	_ =	strace s18  }
0x93: {  	s3 =	sld [smem:$0x3FFC];
	_ =	sdelay $0x3  }
0x94: {  	_ =	strace s3  }
0x95: {  	s3 =	sld [smem:$0x3FFD];
	_ =	sdelay $0x3  }
0x96: {  	_ =	strace s3  }
0x97: {  	_ =	strace $0x8FFFFFFF  }
0x98: {  	s19 =	sld [smem:$0x3FDB];
	_ =	sdelay $0x1  }
0x99: {  	s4 =	simm.s32 $_scs_section_size  }
0x9a: {  	s5 =	simm.s32 $_size__tile_overlayer_lowered;
	s6 =	simm.s32 $_tile_overlayer_lowered  }
0x9b: {  	s22 =	simm.s32 $0x1BFF;
	s21 =	sshll.u32 s6, $0x1;
	s3 =	sadd.s32 s4, s19  }
0x9c: {  	s7 =	simm.s32 $0x0;
	s20 =	sshll.u32 s5, $0x1;
	s5 =	sadd.s32 s21, s3  }
0x9d: {  	[timem:s7], [sflag:s22] =	dma.local [hbm:s5], s20  }
0x9e: {  	_ =	swait.ge [sflag:s22], s20  }
0x9f: {  	s4 =	ssub.s32 $0x0, s20;
	[sflag:s22] =	ssyncset.done $0x0  }
0xa0: {  	[sflag:s22] =	ssyncadd.s32 s4;
	_ =	sdelay $0x1  }
0xa1: {  	s23 =	simm.s32 $0x1B8B  }
0xa2: {  	_ =	swait.ge [sflag:s23], $0x1  }
0xa3: {  	[sflag:s23] =	ssyncset.done $0x0  }
0xa4: {  	s25 =	simm.s32 $0x1B8E;
	s24 =	sld [smem:$0x3FFE];
	[sflag:s23] =	ssyncadd.s32 $0xFFFFFFFF  }
0xa5: {  	s26 =	simm.s32 $execute0_lowered;
	[smem:$0x3FD2] =	sst s25  }
0xa6: {  	s5 =	sshll.u32 s26, $0x1;
	_ =	strace $0x80000046;
	[dreg:$0x1] =	wrdreg $0xFFFFFFFF  }
0xa7: {  	s28 =	simm.s32 $_size_execute0_lowered;
	s3 =	sadd.s32 s3, s5;
	[dreg:$0x0] =	wrdreg $0x0  }
0xa8: {  	s5 =	sshll.u32 s28, $0x1;
	[dreg:$0x2] =	wrdreg s3  }
0xa9: {  	[dreg:$0x3] =	wrdreg s5  }
0xaa: {  	[dreg:$0x4] =	wrdreg $0xC0  }
0xab: {  	_ =	task [dreg:s7], $0x5FFFF  }
0xac: {  	[dreg:$0x1] =	wrdreg $0xFFFFFFFF  }
0xad: {  	[dreg:$0x0] =	wrdreg $0x60  }
0xae: {  	[dreg:$0x2] =	wrdreg s2  }
0xaf: {  	[dreg:$0x3] =	wrdreg s24  }
0xb0: {  	[dreg:$0x4] =	wrdreg $0x9  }
0xb1: {  	_ =	task.clear_ibuf [dreg:s7], $0x5FFFF;
	_ =	strace $0x90000046  }
0xb2: {  	s29 =	simm.s32 $0x9;
	_ =	strace $0x80000048  }
0xb3: {  	_ =	swait.ge [sflag:s29], $0x1  }
0xb4: {  	[sflag:s29] =	ssyncadd.s32 $0xFFFFFFFF  }
0xb5: {  	_ =	strace $0x90000048  }
0xb6: {  	_ =	sfence  }
0xb7: {  	s30 =	sld [smem:$0x0];
	_ =	sdelay $0x2  }
0xb8: {  	s31 =	sshll.u32 s1, $0xD;
	s1 =	sshrl.u32 s1, $0x2  }
0xb9: {  	s3 =	sand.u32 $0x4000, s31;
	s1 =	sadd.s32 s1, s30  }
0xba: {  	s0 =	sor.u32 s3, s0;
	s1 =	sshll.u32 s1, $0x11  }
0xbb: {  	s0 =	sor.u32 s1, s0  }
0xbc: {  	s0 =	sadd.s32 $0x8F2B, s0  }
0xbd: {  	[sflag:s0] =	ssyncadd.remote.s32 $0x1  }
0xbe: {  	_ =	sfence.sel $0xFFFF  }
0xbf: {  	[dreg:$0x0] =	wrdreg $0xFFFFFFFF;
	(pc) =	sbr.abs _section_cstart, $3  }
0xc0: {  	[dreg:$0x1] =	wrdreg $0xFFFFFFFF  }
0xc1: {  	_ =	task.clear_ibuf [dreg:s7], $0x2FFFF;
	_ =	strace $0x9FFFFFFF  }
0xc2: {  	(tm) =	ssettm $0x7FFFFFFF  }
0xc3: {  	_ =	shalt  }
tec
execute0_lowered:
.L_overlay_start_1:
0x0: {  	(tag) =	ssettag $0x1  }
0x1: {  	s0 =	srdreg.scid;
	s1 =	rddreg [dreg:$0x0]  }
0x2: {  	s2 =	stileid.u32;
	s6 =	rddreg [dreg:$0x1]  }
0x3: {  	s26 =	simm.s32 $0x80;
	s10 =	simm.s32 $0x2;
	s25 =	simm.s32 $0x2100  }
0x4: {  	s28 =	simm.s32 $0x3100;
	s29 =	simm.s32 $0x3900;
	s30 =	simm.s32 $0x4100  }
0x5: {  	s31 =	simm.s32 $0x4900;
	s12 =	simm.s32 $0x6100;
	s13 =	simm.s32 $0x6900  }
0x6: {  	s14 =	simm.s32 $0x7100;
	s15 =	simm.s32 $0x7900;
	s16 =	simm.s32 $0x8100  }
0x7: {  	s17 =	simm.s32 $0x8900;
	s18 =	simm.s32 $0x9100;
	s19 =	simm.s32 $0x9900  }
0x8: {  	s20 =	simm.s32 $0xA100;
	s21 =	simm.s32 $0xA900;
	s9 =	simm.s32 $0xB900  }
0x9: {  	s0 =	sand.u32 $0x1, s0;
	s3 =	sshll.u32 s2, $0x7;
	s2 =	simm.s32 $0x0  }
0xa: {  	s4 =	sshll.u32 s0, $0x6;
	[smem:$0x7FF] =	sst s2;
	s0 =	ssub.s32 $0x2, s0  }
0xb: {  	s4 =	sor.u32 s4, s3;
	_ =	strace $0x80000047;
	s7 =	sshrl.u32 s0, $0x1  }
0xc: {  	[dreg:$0x6] =	wrdreg s26;
	s26 =	simm.s32 $0x2900;
	s3 =	sshrl.u32 s4, $0x3  }
0xd: {  	s4 =	sshll.u32 s4, $0x7;
	s0 =	ssub.s32 s0, s7;
	s5 =	sadd.s32 s3, s6  }
0xe: {  	s3 =	sadd.s32 $0x1E00, s6;
	s1 =	sadd.s32 s1, s4;
	s4 =	sadd.s32 $0x1F00, s6  }
0xf: {  	v2 =	vlaneseq.u32;
	s7 =	smax.u32 s0, $0x1;
	s8 =	sadd.s32 $0x1C00, s5;
	[dreg:$0x5] =	wrdreg s1  }
0x10: {  	vm0 =	vmmov $0xffff;
	v1 =	vshrl.u32 v2, $0x3;
	s5 =	sadd.s32 $0x1D00, s5;
	s1 =	simm.s32 $0x3;
	[dreg:$0x3] =	wrdreg s8  }
0x11: {  	v0 =	vand.u32 $0x7, v2;
	v2 =	vor.u32 $0x8, v2;
	v1 =	vmul.u32 $0x8, v1;
	[dreg:$0x4] =	wrdreg s5;
	s5 =	sadd.s32 $0x2000, s6;
	s6 =	sadd.s32 $0x2100, s6  }
.LBB2_1:
0x12: {  	s22 =	rddreg [dreg:$0x3]  }
0x13: {  	s23 =	rddreg [dreg:$0x4]  }
0x14: {  	[tilespmem:s2], [sflag:$0x2] =	stream.linear.gather [hbm4b:s22+s2], $0x40, $0x38;
	[tilespmem:$0x10100] =	vst v63  }
0x15: {  	s24 =	rddreg [dreg:$0x6]  }
0x16: {  	[tilespmem:s24], [sflag:$0x3] =	stream.linear.gather [hbm4b:s23+s2], $0x40, $0x38;
	[tilespmem:$0x10100] =	vst v63  }
0x17: {  	s0 =	rddreg [dreg:$0x5];
	s11 =	simm.s32 $0x100  }
0x18: {  	[tilespmem:s11], [sflag:$0x1] =	stream.linear.gather [hbm4b:s0+s2], $0x10000, $0x38;
	[tilespmem:$0x10100] =	vst v63  }
0x19: {  	_ =	swait.ge [sflag:s10], $0x40  }
0x1a: {  	[sflag:s10] =	ssyncset.done $0x0  }
0x1b: {  	[sflag:s10] =	ssyncadd.s32 $0xFFFFFFC0  }
0x1c: {  	_ =	swait.ge [sflag:s1], $0x40  }
0x1d: {  	[sflag:s1] =	ssyncset.done $0x0  }
0x1e: {  	s0 =	simm.s32 $0x1;
	[sflag:s1] =	ssyncadd.s32 $0xFFFFFFC0  }
0x1f: {  	_ =	swait.ge [sflag:s0], $0x10000  }
0x20: {  	[sflag:s0] =	ssyncset.done $0x0  }
0x21: {  	[sflag:s0] =	ssyncadd.s32 $0xFFFF0000  }
0x22: {  	v3 =	vld [tilespmem:$0x0];
	_ =	sdelay $0x4  }
0x23: {  	v4 =	vshll.u32 v3, $0x3  }
0x24: {  	v3 =	vand.u32 $0x7, v3;
	v4 =	vand.u32 $0xFFFFFFC0, v4  }
0x25: {  	v3 =	vor.u32 v3, v4  }
0x26: {  	v4 =	vperm.xlane v3, v0;
	_ =	sdelay $0x1  }
0x27: {  	v4 =	vadd.s32 v1, v4;
	_ =	sdelay $0x4  }
0x28: {  	[hbm4b:s3+s2] =	stream.indirect_vreg.scatter [tilespmem:s11], [sflag:$0x2], $0x80, v4, vm0, $0xb8;
	[tilespmem:$0x10100] =	vst v63  }
0x29: {  	s22 =	simm.s32 $0x900;
	v3 =	vperm.xlane v3, v2  }
0x2a: {  	[hbm4b:s4+s2] =	stream.indirect_vreg.scatter [tilespmem:s22], [sflag:$0x2], $0x80, v4, vm0, $0xb8;
	[tilespmem:$0x10100] =	vst v63  }
0x2b: {  	s23 =	simm.s32 $0x1100;
	v3 =	vadd.s32 v1, v3  }
0x2c: {  	[hbm4b:s5+s2] =	stream.indirect_vreg.scatter [tilespmem:s23], [sflag:$0x2], $0x80, v4, vm0, $0xb8;
	[tilespmem:$0x10100] =	vst v63  }
0x2d: {  	s24 =	simm.s32 $0x1900  }
0x2e: {  	[hbm4b:s6+s2] =	stream.indirect_vreg.scatter [tilespmem:s24], [sflag:$0x2], $0x80, v4, vm0, $0xb8;
	[tilespmem:$0x10100] =	vst v63  }
0x2f: {  	_ = 	snop  }
0x30: {  	[hbm4b:s3+s2] =	stream.indirect_vreg.scatter [tilespmem:s25], [sflag:$0x2], $0x80, v3, vm0, $0xb8;
	[tilespmem:$0x10100] =	vst v63  }
0x31: {  	_ = 	snop  }
0x32: {  	[hbm4b:s4+s2] =	stream.indirect_vreg.scatter [tilespmem:s26], [sflag:$0x2], $0x80, v3, vm0, $0xb8;
	[tilespmem:$0x10100] =	vst v63  }
0x33: {  	_ = 	snop  }
0x34: {  	[hbm4b:s5+s2] =	stream.indirect_vreg.scatter [tilespmem:s28], [sflag:$0x2], $0x80, v3, vm0, $0xb8;
	[tilespmem:$0x10100] =	vst v63  }
0x35: {  	_ = 	snop  }
0x36: {  	[hbm4b:s6+s2] =	stream.indirect_vreg.scatter [tilespmem:s29], [sflag:$0x2], $0x80, v3, vm0, $0xb8;
	[tilespmem:$0x10100] =	vst v63  }
0x37: {  	v3 =	vld [tilespmem:$0x10];
	_ =	sdelay $0x4  }
0x38: {  	v57 =	vshll.u32 v3, $0x3  }
0x39: {  	v3 =	vand.u32 $0x7, v3;
	v4 =	vand.u32 $0xFFFFFFC0, v57  }
0x3a: {  	v3 =	vor.u32 v3, v4  }
0x3b: {  	v4 =	vperm.xlane v3, v0;
	_ =	sdelay $0x1  }
0x3c: {  	v4 =	vadd.s32 v1, v4;
	_ =	sdelay $0x4  }
0x3d: {  	[hbm4b:s3+s2] =	stream.indirect_vreg.scatter [tilespmem:s30], [sflag:$0x2], $0x80, v4, vm0, $0xb8;
	[tilespmem:$0x10100] =	vst v63  }
0x3e: {  	v3 =	vperm.xlane v3, v2  }
0x3f: {  	[hbm4b:s4+s2] =	stream.indirect_vreg.scatter [tilespmem:s31], [sflag:$0x2], $0x80, v4, vm0, $0xb8;
	[tilespmem:$0x10100] =	vst v63  }
0x40: {  	s8 =	simm.s32 $0x5100;
	v3 =	vadd.s32 v1, v3  }
0x41: {  	[hbm4b:s5+s2] =	stream.indirect_vreg.scatter [tilespmem:s8], [sflag:$0x2], $0x80, v4, vm0, $0xb8;
	[tilespmem:$0x10100] =	vst v63  }
0x42: {  	s8 =	simm.s32 $0x5900  }
0x43: {  	[hbm4b:s6+s2] =	stream.indirect_vreg.scatter [tilespmem:s8], [sflag:$0x2], $0x80, v4, vm0, $0xb8;
	[tilespmem:$0x10100] =	vst v63  }
0x44: {  	_ = 	snop  }
0x45: {  	[hbm4b:s3+s2] =	stream.indirect_vreg.scatter [tilespmem:s12], [sflag:$0x2], $0x80, v3, vm0, $0xb8;
	[tilespmem:$0x10100] =	vst v63  }
0x46: {  	_ = 	snop  }
0x47: {  	[hbm4b:s4+s2] =	stream.indirect_vreg.scatter [tilespmem:s13], [sflag:$0x2], $0x80, v3, vm0, $0xb8;
	[tilespmem:$0x10100] =	vst v63  }
0x48: {  	_ = 	snop  }
0x49: {  	[hbm4b:s5+s2] =	stream.indirect_vreg.scatter [tilespmem:s14], [sflag:$0x2], $0x80, v3, vm0, $0xb8;
	[tilespmem:$0x10100] =	vst v63  }
0x4a: {  	_ = 	snop  }
0x4b: {  	[hbm4b:s6+s2] =	stream.indirect_vreg.scatter [tilespmem:s15], [sflag:$0x2], $0x80, v3, vm0, $0xb8;
	[tilespmem:$0x10100] =	vst v63  }
0x4c: {  	v3 =	vld [tilespmem:$0x20];
	_ =	sdelay $0x4  }
0x4d: {  	v58 =	vshll.u32 v3, $0x3  }
0x4e: {  	v3 =	vand.u32 $0x7, v3;
	v4 =	vand.u32 $0xFFFFFFC0, v58  }
0x4f: {  	v3 =	vor.u32 v3, v4  }
0x50: {  	v4 =	vperm.xlane v3, v0;
	_ =	sdelay $0x1  }
0x51: {  	v4 =	vadd.s32 v1, v4;
	_ =	sdelay $0x4  }
0x52: {  	[hbm4b:s3+s2] =	stream.indirect_vreg.scatter [tilespmem:s16], [sflag:$0x2], $0x80, v4, vm0, $0xb8;
	[tilespmem:$0x10100] =	vst v63  }
0x53: {  	v3 =	vperm.xlane v3, v2  }
0x54: {  	[hbm4b:s4+s2] =	stream.indirect_vreg.scatter [tilespmem:s17], [sflag:$0x2], $0x80, v4, vm0, $0xb8;
	[tilespmem:$0x10100] =	vst v63  }
0x55: {  	v3 =	vadd.s32 v1, v3  }
0x56: {  	[hbm4b:s5+s2] =	stream.indirect_vreg.scatter [tilespmem:s18], [sflag:$0x2], $0x80, v4, vm0, $0xb8;
	[tilespmem:$0x10100] =	vst v63  }
0x57: {  	_ = 	snop  }
0x58: {  	[hbm4b:s6+s2] =	stream.indirect_vreg.scatter [tilespmem:s19], [sflag:$0x2], $0x80, v4, vm0, $0xb8;
	[tilespmem:$0x10100] =	vst v63  }
0x59: {  	_ = 	snop  }
0x5a: {  	[hbm4b:s3+s2] =	stream.indirect_vreg.scatter [tilespmem:s20], [sflag:$0x2], $0x80, v3, vm0, $0xb8;
	[tilespmem:$0x10100] =	vst v63  }
0x5b: {  	_ = 	snop  }
0x5c: {  	[hbm4b:s4+s2] =	stream.indirect_vreg.scatter [tilespmem:s21], [sflag:$0x2], $0x80, v3, vm0, $0xb8;
	[tilespmem:$0x10100] =	vst v63  }
0x5d: {  	s8 =	simm.s32 $0xB100  }
0x5e: {  	[hbm4b:s5+s2] =	stream.indirect_vreg.scatter [tilespmem:s8], [sflag:$0x2], $0x80, v3, vm0, $0xb8;
	[tilespmem:$0x10100] =	vst v63  }
0x5f: {  	_ = 	snop  }
0x60: {  	[hbm4b:s6+s2] =	stream.indirect_vreg.scatter [tilespmem:s9], [sflag:$0x2], $0x80, v3, vm0, $0xb8;
	[tilespmem:$0x10100] =	vst v63  }
0x61: {  	v3 =	vld [tilespmem:$0x30];
	_ =	sdelay $0x4  }
0x62: {  	v59 =	vshll.u32 v3, $0x3  }
0x63: {  	v3 =	vand.u32 $0x7, v3;
	v4 =	vand.u32 $0xFFFFFFC0, v59  }
0x64: {  	v3 =	vor.u32 v3, v4  }
0x65: {  	v4 =	vperm.xlane v3, v0;
	_ =	sdelay $0x1  }
0x66: {  	v4 =	vadd.s32 v1, v4;
	_ =	sdelay $0x3  }
0x67: {  	s0 =	simm.s32 $0xC100  }
0x68: {  	[hbm4b:s3+s2] =	stream.indirect_vreg.scatter [tilespmem:s0], [sflag:$0x2], $0x80, v4, vm0, $0xb8;
	[tilespmem:$0x10100] =	vst v63  }
0x69: {  	v3 =	vperm.xlane v3, v2;
	s0 =	simm.s32 $0xC900  }
0x6a: {  	[hbm4b:s4+s2] =	stream.indirect_vreg.scatter [tilespmem:s0], [sflag:$0x2], $0x80, v4, vm0, $0xb8;
	[tilespmem:$0x10100] =	vst v63  }
0x6b: {  	v3 =	vadd.s32 v1, v3;
	s0 =	simm.s32 $0xD100  }
0x6c: {  	[hbm4b:s5+s2] =	stream.indirect_vreg.scatter [tilespmem:s0], [sflag:$0x2], $0x80, v4, vm0, $0xb8;
	[tilespmem:$0x10100] =	vst v63  }
0x6d: {  	s0 =	simm.s32 $0xD900  }
0x6e: {  	[hbm4b:s6+s2] =	stream.indirect_vreg.scatter [tilespmem:s0], [sflag:$0x2], $0x80, v4, vm0, $0xb8;
	[tilespmem:$0x10100] =	vst v63  }
0x6f: {  	s0 =	simm.s32 $0xE100  }
0x70: {  	[hbm4b:s3+s2] =	stream.indirect_vreg.scatter [tilespmem:s0], [sflag:$0x2], $0x80, v3, vm0, $0xb8;
	[tilespmem:$0x10100] =	vst v63  }
0x71: {  	s0 =	simm.s32 $0xE900  }
0x72: {  	[hbm4b:s4+s2] =	stream.indirect_vreg.scatter [tilespmem:s0], [sflag:$0x2], $0x80, v3, vm0, $0xb8;
	[tilespmem:$0x10100] =	vst v63  }
0x73: {  	s0 =	simm.s32 $0xF100  }
0x74: {  	[hbm4b:s5+s2] =	stream.indirect_vreg.scatter [tilespmem:s0], [sflag:$0x2], $0x80, v3, vm0, $0xb8;
	[tilespmem:$0x10100] =	vst v63  }
0x75: {  	s0 =	simm.s32 $0xF900  }
0x76: {  	[hbm4b:s6+s2] =	stream.indirect_vreg.scatter [tilespmem:s0], [sflag:$0x2], $0x80, v3, vm0, $0xb8;
	[tilespmem:$0x10100] =	vst v63  }
0x77: {  	v3 =	vld [tilespmem:$0x80];
	_ =	sdelay $0x4  }
0x78: {  	v60 =	vshll.u32 v3, $0x3  }
0x79: {  	v3 =	vand.u32 $0x7, v3;
	v4 =	vand.u32 $0xFFFFFFC0, v60  }
0x7a: {  	v3 =	vor.u32 v3, v4  }
0x7b: {  	v4 =	vperm.xlane v3, v0;
	_ =	sdelay $0x1  }
0x7c: {  	v4 =	vadd.s32 v1, v4;
	_ =	sdelay $0x4  }
0x7d: {  	[hbm4b:s3+s2] =	stream.indirect_vreg.scatter [tilespmem:s11], [sflag:$0x3], $0x80, v4, vm0, $0xb8;
	[tilespmem:$0x10100] =	vst v63  }
0x7e: {  	v3 =	vperm.xlane v3, v2  }
0x7f: {  	[hbm4b:s4+s2] =	stream.indirect_vreg.scatter [tilespmem:s22], [sflag:$0x3], $0x80, v4, vm0, $0xb8;
	[tilespmem:$0x10100] =	vst v63  }
0x80: {  	v3 =	vadd.s32 v1, v3  }
0x81: {  	[hbm4b:s5+s2] =	stream.indirect_vreg.scatter [tilespmem:s23], [sflag:$0x3], $0x80, v4, vm0, $0xb8;
	[tilespmem:$0x10100] =	vst v63  }
0x82: {  	_ = 	snop  }
0x83: {  	[hbm4b:s6+s2] =	stream.indirect_vreg.scatter [tilespmem:s24], [sflag:$0x3], $0x80, v4, vm0, $0xb8;
	[tilespmem:$0x10100] =	vst v63  }
0x84: {  	_ = 	snop  }
0x85: {  	[hbm4b:s3+s2] =	stream.indirect_vreg.scatter [tilespmem:s25], [sflag:$0x3], $0x80, v3, vm0, $0xb8;
	[tilespmem:$0x10100] =	vst v63  }
0x86: {  	_ = 	snop  }
0x87: {  	[hbm4b:s4+s2] =	stream.indirect_vreg.scatter [tilespmem:s26], [sflag:$0x3], $0x80, v3, vm0, $0xb8;
	[tilespmem:$0x10100] =	vst v63  }
0x88: {  	_ = 	snop  }
0x89: {  	[hbm4b:s5+s2] =	stream.indirect_vreg.scatter [tilespmem:s28], [sflag:$0x3], $0x80, v3, vm0, $0xb8;
	[tilespmem:$0x10100] =	vst v63  }
0x8a: {  	_ = 	snop  }
0x8b: {  	[hbm4b:s6+s2] =	stream.indirect_vreg.scatter [tilespmem:s29], [sflag:$0x3], $0x80, v3, vm0, $0xb8;
	[tilespmem:$0x10100] =	vst v63  }
0x8c: {  	v3 =	vld [tilespmem:$0x90];
	_ =	sdelay $0x4  }
0x8d: {  	v61 =	vshll.u32 v3, $0x3  }
0x8e: {  	v3 =	vand.u32 $0x7, v3;
	v4 =	vand.u32 $0xFFFFFFC0, v61  }
0x8f: {  	v3 =	vor.u32 v3, v4  }
0x90: {  	v4 =	vperm.xlane v3, v0;
	_ =	sdelay $0x1  }
0x91: {  	v4 =	vadd.s32 v1, v4;
	_ =	sdelay $0x4  }
0x92: {  	[hbm4b:s3+s2] =	stream.indirect_vreg.scatter [tilespmem:s30], [sflag:$0x3], $0x80, v4, vm0, $0xb8;
	[tilespmem:$0x10100] =	vst v63  }
0x93: {  	v3 =	vperm.xlane v3, v2  }
0x94: {  	[hbm4b:s4+s2] =	stream.indirect_vreg.scatter [tilespmem:s31], [sflag:$0x3], $0x80, v4, vm0, $0xb8;
	[tilespmem:$0x10100] =	vst v63  }
0x95: {  	s23 =	simm.s32 $0x5100;
	v3 =	vadd.s32 v1, v3  }
0x96: {  	[hbm4b:s5+s2] =	stream.indirect_vreg.scatter [tilespmem:s23], [sflag:$0x3], $0x80, v4, vm0, $0xb8;
	[tilespmem:$0x10100] =	vst v63  }
0x97: {  	s24 =	simm.s32 $0x5900  }
0x98: {  	[hbm4b:s6+s2] =	stream.indirect_vreg.scatter [tilespmem:s24], [sflag:$0x3], $0x80, v4, vm0, $0xb8;
	[tilespmem:$0x10100] =	vst v63  }
0x99: {  	_ = 	snop  }
0x9a: {  	[hbm4b:s3+s2] =	stream.indirect_vreg.scatter [tilespmem:s12], [sflag:$0x3], $0x80, v3, vm0, $0xb8;
	[tilespmem:$0x10100] =	vst v63  }
0x9b: {  	_ = 	snop  }
0x9c: {  	[hbm4b:s4+s2] =	stream.indirect_vreg.scatter [tilespmem:s13], [sflag:$0x3], $0x80, v3, vm0, $0xb8;
	[tilespmem:$0x10100] =	vst v63  }
0x9d: {  	_ = 	snop  }
0x9e: {  	[hbm4b:s5+s2] =	stream.indirect_vreg.scatter [tilespmem:s14], [sflag:$0x3], $0x80, v3, vm0, $0xb8;
	[tilespmem:$0x10100] =	vst v63  }
0x9f: {  	_ = 	snop  }
0xa0: {  	[hbm4b:s6+s2] =	stream.indirect_vreg.scatter [tilespmem:s15], [sflag:$0x3], $0x80, v3, vm0, $0xb8;
	[tilespmem:$0x10100] =	vst v63  }
0xa1: {  	v3 =	vld [tilespmem:$0xA0];
	_ =	sdelay $0x4  }
0xa2: {  	v62 =	vshll.u32 v3, $0x3  }
0xa3: {  	v3 =	vand.u32 $0x7, v3;
	v4 =	vand.u32 $0xFFFFFFC0, v62  }
0xa4: {  	v3 =	vor.u32 v3, v4  }
0xa5: {  	v4 =	vperm.xlane v3, v0;
	_ =	sdelay $0x1  }
0xa6: {  	v4 =	vadd.s32 v1, v4;
	_ =	sdelay $0x4  }
0xa7: {  	[hbm4b:s3+s2] =	stream.indirect_vreg.scatter [tilespmem:s16], [sflag:$0x3], $0x80, v4, vm0, $0xb8;
	[tilespmem:$0x10100] =	vst v63  }
0xa8: {  	v3 =	vperm.xlane v3, v2  }
0xa9: {  	[hbm4b:s4+s2] =	stream.indirect_vreg.scatter [tilespmem:s17], [sflag:$0x3], $0x80, v4, vm0, $0xb8;
	[tilespmem:$0x10100] =	vst v63  }
0xaa: {  	v3 =	vadd.s32 v1, v3  }
0xab: {  	[hbm4b:s5+s2] =	stream.indirect_vreg.scatter [tilespmem:s18], [sflag:$0x3], $0x80, v4, vm0, $0xb8;
	[tilespmem:$0x10100] =	vst v63  }
0xac: {  	_ = 	snop  }
0xad: {  	[hbm4b:s6+s2] =	stream.indirect_vreg.scatter [tilespmem:s19], [sflag:$0x3], $0x80, v4, vm0, $0xb8;
	[tilespmem:$0x10100] =	vst v63  }
0xae: {  	_ = 	snop  }
0xaf: {  	[hbm4b:s3+s2] =	stream.indirect_vreg.scatter [tilespmem:s20], [sflag:$0x3], $0x80, v3, vm0, $0xb8;
	[tilespmem:$0x10100] =	vst v63  }
0xb0: {  	_ = 	snop  }
0xb1: {  	[hbm4b:s4+s2] =	stream.indirect_vreg.scatter [tilespmem:s21], [sflag:$0x3], $0x80, v3, vm0, $0xb8;
	[tilespmem:$0x10100] =	vst v63  }
0xb2: {  	_ = 	snop  }
0xb3: {  	[hbm4b:s5+s2] =	stream.indirect_vreg.scatter [tilespmem:s8], [sflag:$0x3], $0x80, v3, vm0, $0xb8;
	[tilespmem:$0x10100] =	vst v63  }
0xb4: {  	_ = 	snop  }
0xb5: {  	[hbm4b:s6+s2] =	stream.indirect_vreg.scatter [tilespmem:s9], [sflag:$0x3], $0x80, v3, vm0, $0xb8;
	[tilespmem:$0x10100] =	vst v63  }
0xb6: {  	v3 =	vld [tilespmem:$0xB0];
	_ =	sdelay $0x4  }
0xb7: {  	v63 =	vshll.u32 v3, $0x3  }
0xb8: {  	v3 =	vand.u32 $0x7, v3;
	v4 =	vand.u32 $0xFFFFFFC0, v63  }
0xb9: {  	v3 =	vor.u32 v3, v4  }
0xba: {  	v4 =	vperm.xlane v3, v0;
	_ =	sdelay $0x1  }
0xbb: {  	v4 =	vadd.s32 v1, v4;
	_ =	sdelay $0x3  }
0xbc: {  	s22 =	simm.s32 $0xC100  }
0xbd: {  	[hbm4b:s3+s2] =	stream.indirect_vreg.scatter [tilespmem:s22], [sflag:$0x3], $0x80, v4, vm0, $0xb8;
	[tilespmem:$0x10100] =	vst v63  }
0xbe: {  	s23 =	simm.s32 $0xC900;
	v3 =	vperm.xlane v3, v2  }
0xbf: {  	[hbm4b:s4+s2] =	stream.indirect_vreg.scatter [tilespmem:s23], [sflag:$0x3], $0x80, v4, vm0, $0xb8;
	[tilespmem:$0x10100] =	vst v63  }
0xc0: {  	s24 =	simm.s32 $0xD100;
	v3 =	vadd.s32 v1, v3  }
0xc1: {  	[hbm4b:s5+s2] =	stream.indirect_vreg.scatter [tilespmem:s24], [sflag:$0x3], $0x80, v4, vm0, $0xb8;
	[tilespmem:$0x10100] =	vst v63  }
0xc2: {  	s11 =	simm.s32 $0xD900  }
0xc3: {  	[hbm4b:s6+s2] =	stream.indirect_vreg.scatter [tilespmem:s11], [sflag:$0x3], $0x80, v4, vm0, $0xb8;
	[tilespmem:$0x10100] =	vst v63  }
0xc4: {  	s22 =	simm.s32 $0xE100  }
0xc5: {  	[hbm4b:s3+s2] =	stream.indirect_vreg.scatter [tilespmem:s22], [sflag:$0x3], $0x80, v3, vm0, $0xb8;
	[tilespmem:$0x10100] =	vst v63  }
0xc6: {  	s23 =	simm.s32 $0xE900  }
0xc7: {  	[hbm4b:s4+s2] =	stream.indirect_vreg.scatter [tilespmem:s23], [sflag:$0x3], $0x80, v3, vm0, $0xb8;
	[tilespmem:$0x10100] =	vst v63  }
0xc8: {  	s24 =	simm.s32 $0xF100  }
0xc9: {  	[hbm4b:s5+s2] =	stream.indirect_vreg.scatter [tilespmem:s24], [sflag:$0x3], $0x80, v3, vm0, $0xb8;
	[tilespmem:$0x10100] =	vst v63  }
0xca: {  	_ = 	snop  }
0xcb: {  	[hbm4b:s6+s2] =	stream.indirect_vreg.scatter [tilespmem:s0], [sflag:$0x3], $0x80, v3, vm0, $0xb8;
	[tilespmem:$0x10100] =	vst v63  }
0xcc: {  	p0 =	sne.s32 s7, $0x1;
	_ =	swait.ge [sflag:s10], $0x10000  }
.Ltmp0:
0xcd: {  	[sflag:s10] =	ssyncset.done $0x0;
	(pc) =	sbr.rel @p0 .LBB2_1-.Ltmp0, $4  }
0xce: {  	[sflag:s10] =	ssyncadd.s32 $0xFFFF0000  }
0xcf: {  	_ =	swait.ge [sflag:s1], $0x10000  }
0xd0: {  	[sflag:s1] =	ssyncset.done $0x0  }
0xd1: {  	s7 =	sadd.s32 $0xFFFFFFFF, s7;
	[sflag:s1] =	ssyncadd.s32 $0xFFFF0000  }
0xd2: {  	_ =	sfence.sel $0x180000  }
0xd3: {  	[bflag:$0x0] =	sbarrier.arrive $0xFFFF  }
0xd4: {  	_ =	strace $0x90000047  }
0xd5: {  	s0 =	stileid.u32;
	[bflag:$0x2] =	sbarrier.arrive $0xFFFF  }
0xd6: {  	p0 =	sne.s32 s0, $0x0;
	s0 =	rddreg [dreg:$0x2]  }
0xd7: {  	s0 =	sadd.s32 @!p0 $0x100000, s0  }
0xd8: {  	[sflag:s0] =	ssyncadd.tile.s32 @!p0 $0x1;
	_ =	shalt  }
.Lfunc_end2:
_tile_overlayer_lowered:
.L_overlay_start_2:
0xd9: {  	(tag) =	ssettag $0x2  }
0xda: {  	s0 =	rddreg [dreg:$0x0];
	s2 =	stileid.u32  }
0xdb: {  	s1 =	rddreg [dreg:$0x1];
	p0 =	sne.s32 s2, $0x0  }
0xdc: {  	s3 =	rddreg [dreg:$0x2];
	[bflag:$0x3] =	sbarrier.arrive $0xFFFF;
	s2 =	simm.s32 @!p0 $0x1C04  }
0xdd: {  	[timem:s3], [sflag:s2] =	dma.local @!p0 [hbm:s0], s1  }
0xde: {  	s0 =	simm.s32 @!p0 $0x4  }
0xdf: {  	_ =	swait.ge @!p0 [sflag:s0], s1  }
0xe0: {  	s1 =	ssub.s32 @!p0 $0x0, s1;
	[sflag:s0] =	ssyncset.done @!p0 $0x0  }
0xe1: {  	[sflag:s0] =	ssyncadd.s32 @!p0 s1  }
0xe2: {  	[bflag:$0x3] =	sbarrier.arrive $0xFFFF  }
0xe3: {  	_ =	shalt  }

</sc_bundles>
